<compile_context>
chip_gen: v7x
topology: tpu7x:2x2x1
jax: 0.10.2.dev20260603
libtpu: 0.0.44.dev20260713+nightly
codegen_flags: <defaults>
</compile_context>

<pallas_src>
import functools

import jax
import jax.numpy as jnp
from jax import lax
from jax.experimental import pallas as pl
from jax.experimental.pallas import tpu as pltpu
from jax.experimental.pallas import tpu_sc as plsc

NUM_ITEMS = 1000000
LATENT_DIM = 64
BATCH = 16384

NC = 2
NS = 16
L = 16
NW = NC * NS
BPW = BATCH // NW
CHUNK = 128
NCHUNK = BPW // CHUNK

BLKW = 32768
SCN = 622592
IB0 = SCN // BLKW
NBLK_TC = (NUM_ITEMS - SCN + BLKW - 1) // BLKW

WPW = SCN // NW
CW = 512
NCH = WPW // CW
GR = CW // L


def _matvec_body(w_ref, et_ref, b_ref, y_ref):
    y_ref[...] = jnp.dot(w_ref[...], et_ref[...],
                         preferred_element_type=jnp.float32) + b_ref[0, 0]


def _scmv_body(et_hbm, wt_hbm, b16_hbm, ysc_hbm,
               buf0, buf1, wt_v, b_v, yw0, yw1, sem0, sem1, osem0, osem1):
    wid = lax.axis_index("s") * NC + lax.axis_index("c")
    base = wid * WPW
    pltpu.sync_copy(wt_hbm, wt_v)
    pltpu.sync_copy(b16_hbm, b_v)
    pltpu.async_copy(et_hbm.at[:, pl.ds(base, CW)], buf0, sem0)

    def compute(buf, yw):
        def fbody(f, accs):
            wf = wt_v[pl.ds(f * L, L)]
            return tuple(a + buf[f, pl.ds(g * L, L)] * wf
                         for g, a in enumerate(accs))
        accs = lax.fori_loop(0, LATENT_DIM, fbody,
                             tuple(b_v[...] for _ in range(GR)))
        for g in range(GR):
            yw[pl.ds(g * L, L)] = accs[g]

    def pair(k, carry):
        c0 = 2 * k
        pltpu.make_async_copy(et_hbm.at[:, pl.ds(0, CW)], buf0, sem0).wait()
        pltpu.async_copy(
            et_hbm.at[:, pl.ds(base + (c0 + 1) * CW, CW)], buf1, sem1)

        @pl.when(k > 0)
        def _():
            pltpu.make_async_copy(
                yw0, ysc_hbm.at[pl.ds(0, CW)], osem0).wait()

        compute(buf0, yw0)
        pltpu.async_copy(yw0, ysc_hbm.at[pl.ds(base + c0 * CW, CW)], osem0)
        pltpu.make_async_copy(et_hbm.at[:, pl.ds(0, CW)], buf1, sem1).wait()

        @pl.when(k + 1 < NCH // 2)
        def _():
            pltpu.async_copy(
                et_hbm.at[:, pl.ds(base + (c0 + 2) * CW, CW)], buf0, sem0)

        @pl.when(k > 0)
        def _():
            pltpu.make_async_copy(
                yw1, ysc_hbm.at[pl.ds(0, CW)], osem1).wait()

        compute(buf1, yw1)
        pltpu.async_copy(
            yw1, ysc_hbm.at[pl.ds(base + (c0 + 1) * CW, CW)], osem1)
        return carry

    lax.fori_loop(0, NCH // 2, pair, 0)
    pltpu.make_async_copy(yw0, ysc_hbm.at[pl.ds(0, CW)], osem0).wait()
    pltpu.make_async_copy(yw1, ysc_hbm.at[pl.ds(0, CW)], osem1).wait()


def _gather_body(y_hbm, idx_hbm, out_hbm, idx_v, out_v, sem):
    wid = lax.axis_index("s") * NC + lax.axis_index("c")
    base = wid * BPW
    for c in range(NCHUNK):
        pltpu.sync_copy(idx_hbm.at[pl.ds(base + c * CHUNK, CHUNK)],
                        idx_v.at[c])
    copies = []
    for c in range(NCHUNK):
        copies.append(pltpu.async_copy(
            y_hbm.at[idx_v.at[c]],
            out_v.at[pl.ds(c * CHUNK, CHUNK)], sem))
    for cp in copies:
        cp.wait()
    pltpu.sync_copy(out_v, out_hbm.at[pl.ds(base, BPW)])


_SC_MESH = dict(core_axis_name="c", subcore_axis_name="s",
                num_cores=NC, num_subcores=NS)


@jax.jit
def kernel(item_indices, item_emb, ffn_w, ffn_b):
    idx = item_indices.astype(jnp.int32)
    et = jnp.swapaxes(item_emb, 0, 1)
    b2 = ffn_b.reshape(1, 1)
    w = ffn_w.reshape(LATENT_DIM).astype(jnp.float32)
    wt = jnp.repeat(w, L)
    b16 = jnp.broadcast_to(ffn_b.astype(jnp.float32), (L,))

    sc_matvec = pl.kernel(
        _scmv_body,
        out_type=jax.ShapeDtypeStruct((SCN,), jnp.float32),
        mesh=plsc.VectorSubcoreMesh(**_SC_MESH),
        compiler_params=pltpu.CompilerParams(needs_layout_passes=False),
        scratch_types=[
            pltpu.VMEM((LATENT_DIM, CW), jnp.float32),
            pltpu.VMEM((LATENT_DIM, CW), jnp.float32),
            pltpu.VMEM((LATENT_DIM * L,), jnp.float32),
            pltpu.VMEM((L,), jnp.float32),
            pltpu.VMEM((CW,), jnp.float32),
            pltpu.VMEM((CW,), jnp.float32),
            pltpu.SemaphoreType.DMA,
            pltpu.SemaphoreType.DMA,
            pltpu.SemaphoreType.DMA,
            pltpu.SemaphoreType.DMA,
        ],
    )
    y_sc = sc_matvec(et, wt, b16)

    y2 = pl.pallas_call(
        _matvec_body,
        grid=(NBLK_TC,),
        in_specs=[
            pl.BlockSpec((1, LATENT_DIM), lambda i: (0, 0)),
            pl.BlockSpec((LATENT_DIM, BLKW), lambda i: (0, i + IB0)),
            pl.BlockSpec((1, 1), lambda i: (0, 0), memory_space=pltpu.SMEM),
        ],
        out_specs=pl.BlockSpec((1, BLKW), lambda i: (0, i + IB0)),
        out_shape=jax.ShapeDtypeStruct((1, NUM_ITEMS), jnp.float32),
        compiler_params=pltpu.CompilerParams(
            dimension_semantics=("parallel",)),
    )(ffn_w, et, b2)
    y_tc = y2.reshape(NUM_ITEMS)
    y = lax.concatenate([y_sc, lax.slice(y_tc, (SCN,), (NUM_ITEMS,))], 0)

    gather = pl.kernel(
        _gather_body,
        out_type=jax.ShapeDtypeStruct((BATCH,), jnp.float32),
        mesh=plsc.VectorSubcoreMesh(**_SC_MESH),
        compiler_params=pltpu.CompilerParams(needs_layout_passes=False),
        scratch_types=[
            pltpu.VMEM((NCHUNK, CHUNK), jnp.int32),
            pltpu.VMEM((BPW,), jnp.float32),
            pltpu.SemaphoreType.DMA,
        ],
    )
    out = gather(y, idx)
    return out.reshape(BATCH, 1)

# --- scband reference (transcript-rebuilt; emitter-appended) ---
"""Pipeline reference for scband-fed-rkg-engine-24352464569729 (READ-ONLY COPY).

The authoritative reference and input builder live on the scoring server;
editing this copy changes nothing except your own understanding.
"""

import jax, jax.numpy as jnp
import numpy as np

NUM_ITEMS = 1000000
LATENT_DIM = 64
BATCH = 16384

def setup_inputs(seed: int = 0) -> dict:
    key = jax.random.key(seed)
    k1, k2, k3, k4 = jax.random.split(key, 4)
    item_indices = jax.random.randint(k1, (BATCH,), 0, NUM_ITEMS, dtype=jnp.int64 if jax.config.jax_enable_x64 else jnp.int32)
    item_emb = jax.random.normal(k2, (NUM_ITEMS, LATENT_DIM), dtype=jnp.float32)
    ffn_w = jax.random.normal(k3, (1, LATENT_DIM), dtype=jnp.float32) * (1.0 / np.sqrt(LATENT_DIM))
    ffn_b = jax.random.normal(k4, (1,), dtype=jnp.float32) * 0.01
    return {"item_indices": item_indices, "item_emb": item_emb, "ffn_w": ffn_w, "ffn_b": ffn_b}

def reference(item_indices, item_emb, ffn_w, ffn_b):
    # FedRKG.forward with use_u == False:
    # vector = item_emb(item_indices); out = ffn(vector)
    vector = jnp.take(item_emb, item_indices, axis=0)  # [B, latent_dim]
    out = vector @ ffn_w.T + ffn_b  # [B, 1]
    return out

if __name__ == "__main__":
    import jax
    _d = setup_inputs()
    print(jax.jit(kernel)(*tuple(_d.values())))

</pallas_src>

<mosaic_0001>
#map = affine_map<(d0, d1) -> (0, 0)>
#map1 = affine_map<(d0, d1) -> (0)>
module attributes {stable_mosaic.version = 14 : i64} {
  func.func @_scmv_body(%arg0: i32, %arg1: i32, %arg2: memref<64x1000000xf32, #tpu.memory_space<hbm>>, %arg3: memref<1024xf32, #tpu.memory_space<hbm>>, %arg4: memref<16xf32, #tpu.memory_space<hbm>>, %arg5: memref<622592xf32, #tpu.memory_space<hbm>>, %arg6: memref<64x512xf32, #tpu.memory_space<vmem>>, %arg7: memref<64x512xf32, #tpu.memory_space<vmem>>, %arg8: memref<1024xf32, #tpu.memory_space<vmem>>, %arg9: memref<16xf32, #tpu.memory_space<vmem>>, %arg10: memref<512xf32, #tpu.memory_space<vmem>>, %arg11: memref<512xf32, #tpu.memory_space<vmem>>, %arg12: memref<!tpu.dma_semaphore, #tpu.memory_space<semaphore_mem>>, %arg13: memref<!tpu.dma_semaphore, #tpu.memory_space<semaphore_mem>>, %arg14: memref<!tpu.dma_semaphore, #tpu.memory_space<semaphore_mem>>, %arg15: memref<!tpu.dma_semaphore, #tpu.memory_space<semaphore_mem>>) attributes {dimension_semantics = [#tpu.dimension_semantics<core_parallel>, #tpu.dimension_semantics<subcore_parallel>], iteration_bounds = array<i64: 2, 16>, scalar_prefetch = 0 : i64, scratch_operands = 10 : i64, tpu.core_type = #tpu.core_type<sc_vector_subcore>, window_params = [{transform_indices = #map}, {transform_indices = #map1}, {transform_indices = #map1}, {transform_indices = #map1}]} {
    %mul3A = arith.constant 2 : i32
    %mul3A_0 = arith.muli %arg1, %mul3A : i32
    %add3A = arith.addi %mul3A_0, %arg0 : i32
    %mul3A_1 = arith.constant 19456 : i32
    %mul3A_2 = arith.muli %add3A, %mul3A_1 : i32
    "tpu.region"() ({
      %run_scoped3A = tpu.sem_alloc : memref<!tpu.dma_semaphore, #tpu.memory_space<semaphore_mem>>
      tpu.enqueue_dma source(%arg3 : memref<1024xf32, #tpu.memory_space<hbm>>) target(%arg8 : memref<1024xf32, #tpu.memory_space<vmem>>) target_semaphore(%run_scoped3A : memref<!tpu.dma_semaphore, #tpu.memory_space<semaphore_mem>>)
      tpu.wait_dma2 semaphore(%run_scoped3A : memref<!tpu.dma_semaphore, #tpu.memory_space<semaphore_mem>>) src(%arg3 : memref<1024xf32, #tpu.memory_space<hbm>>) dst(%arg8 : memref<1024xf32, #tpu.memory_space<vmem>>)
      tpu.yield
    }) : () -> ()
    "tpu.region"() ({
      %run_scoped3A = tpu.sem_alloc : memref<!tpu.dma_semaphore, #tpu.memory_space<semaphore_mem>>
      tpu.enqueue_dma source(%arg4 : memref<16xf32, #tpu.memory_space<hbm>>) target(%arg9 : memref<16xf32, #tpu.memory_space<vmem>>) target_semaphore(%run_scoped3A : memref<!tpu.dma_semaphore, #tpu.memory_space<semaphore_mem>>)
      tpu.wait_dma2 semaphore(%run_scoped3A : memref<!tpu.dma_semaphore, #tpu.memory_space<semaphore_mem>>) src(%arg4 : memref<16xf32, #tpu.memory_space<hbm>>) dst(%arg9 : memref<16xf32, #tpu.memory_space<vmem>>)
      tpu.yield
    }) : () -> ()
    %dma_start3A = arith.constant 0 : i32
    %dma_start3A_3 = tpu.memref_slice %arg2[%dma_start3A, %mul3A_2] : memref<64x1000000xf32, #tpu.memory_space<hbm>> -> memref<64x512xf32, #tpu.memory_space<hbm>>
    %dma_start3A_4 = arith.constant 0 : i32
    %dma_start3A_5 = tpu.memref_slice %arg2[%dma_start3A_4, %mul3A_2] : memref<64x1000000xf32, #tpu.memory_space<hbm>> -> memref<64x512xf32, #tpu.memory_space<hbm>>
    tpu.enqueue_dma source(%dma_start3A_5 : memref<64x512xf32, #tpu.memory_space<hbm>>) target(%arg6 : memref<64x512xf32, #tpu.memory_space<vmem>>) target_semaphore(%arg12 : memref<!tpu.dma_semaphore, #tpu.memory_space<semaphore_mem>>)
    %scan3A = arith.constant 0 : i32
    %scan3A_6 = arith.constant 0 : i32
    %scan3A_7 = arith.constant 19 : i32
    %scan3A_8 = arith.addi %scan3A_6, %scan3A_7 : i32
    %scan3A_9 = arith.constant 1 : i32
    scf.for %scan3A_18 = %scan3A_6 to %scan3A_8 step %scan3A_9  : i32 {
      %mul3A_19 = arith.constant 2 : i32
      %mul3A_20 = arith.muli %mul3A_19, %scan3A_18 : i32
      %dma_wait3A_21 = arith.constant 0 : i32
      %dma_wait3A_22 = arith.constant 0 : i32
      %dma_wait3A_23 = tpu.memref_slice %arg2[%dma_wait3A_21, %dma_wait3A_22] : memref<64x1000000xf32, #tpu.memory_space<hbm>> -> memref<64x512xf32, #tpu.memory_space<hbm>>
      %dma_wait3A_24 = arith.constant 0 : i32
      %dma_wait3A_25 = arith.constant 0 : i32
      %dma_wait3A_26 = tpu.memref_slice %arg2[%dma_wait3A_24, %dma_wait3A_25] : memref<64x1000000xf32, #tpu.memory_space<hbm>> -> memref<64x512xf32, #tpu.memory_space<hbm>>
      tpu.wait_dma2 semaphore(%arg12 : memref<!tpu.dma_semaphore, #tpu.memory_space<semaphore_mem>>) src(%dma_wait3A_26 : memref<64x512xf32, #tpu.memory_space<hbm>>) dst(%arg6 : memref<64x512xf32, #tpu.memory_space<vmem>>)
      %add3A_27 = arith.constant 1 : i32
      %add3A_28 = arith.addi %mul3A_20, %add3A_27 : i32
      %mul3A_29 = arith.constant 512 : i32
      %mul3A_30 = arith.muli %add3A_28, %mul3A_29 : i32
      %add3A_31 = arith.addi %mul3A_2, %mul3A_30 : i32
      %dma_start3A_32 = arith.constant 0 : i32
      %dma_start3A_33 = tpu.memref_slice %arg2[%dma_start3A_32, %add3A_31] : memref<64x1000000xf32, #tpu.memory_space<hbm>> -> memref<64x512xf32, #tpu.memory_space<hbm>>
      %dma_start3A_34 = arith.constant 0 : i32
      %dma_start3A_35 = tpu.memref_slice %arg2[%dma_start3A_34, %add3A_31] : memref<64x1000000xf32, #tpu.memory_space<hbm>> -> memref<64x512xf32, #tpu.memory_space<hbm>>
      tpu.enqueue_dma source(%dma_start3A_35 : memref<64x512xf32, #tpu.memory_space<hbm>>) target(%arg7 : memref<64x512xf32, #tpu.memory_space<vmem>>) target_semaphore(%arg13 : memref<!tpu.dma_semaphore, #tpu.memory_space<semaphore_mem>>)
      %gt3A = arith.constant 0 : i32
      %gt3A_36 = arith.cmpi sgt, %scan3A_18, %gt3A : i32
      %convert_element_type3A = arith.extui %gt3A_36 : i1 to i32
      %cond3A = arith.constant 0 : i32
      %cond3A_37 = arith.cmpi ne, %convert_element_type3A, %cond3A : i32
      scf.if %cond3A_37 {
        %dma_wait3A_333 = arith.constant 0 : i32
        %dma_wait3A_334 = tpu.memref_slice %arg5[%dma_wait3A_333] : memref<622592xf32, #tpu.memory_space<hbm>> -> memref<512xf32, #tpu.memory_space<hbm>>
        %dma_wait3A_335 = arith.constant 0 : i32
        %dma_wait3A_336 = tpu.memref_slice %arg5[%dma_wait3A_335] : memref<622592xf32, #tpu.memory_space<hbm>> -> memref<512xf32, #tpu.memory_space<hbm>>
        tpu.wait_dma2 semaphore(%arg14 : memref<!tpu.dma_semaphore, #tpu.memory_space<semaphore_mem>>) src(%arg10 : memref<512xf32, #tpu.memory_space<vmem>>) dst(%dma_wait3A_336 : memref<512xf32, #tpu.memory_space<hbm>>)
      } else {
      }
      %get3A = arith.constant 0 : index
      %get3A_38 = tpu.vector_load %arg9[%get3A] {strides = array<i32>} : memref<16xf32, #tpu.memory_space<vmem>>, vector<16xf32>,
      %get3A_39 = arith.constant 0 : index
      %get3A_40 = tpu.vector_load %arg9[%get3A_39] {strides = array<i32>} : memref<16xf32, #tpu.memory_space<vmem>>, vector<16xf32>,
      %get3A_41 = arith.constant 0 : index
      %get3A_42 = tpu.vector_load %arg9[%get3A_41] {strides = array<i32>} : memref<16xf32, #tpu.memory_space<vmem>>, vector<16xf32>,
      %get3A_43 = arith.constant 0 : index
      %get3A_44 = tpu.vector_load %arg9[%get3A_43] {strides = array<i32>} : memref<16xf32, #tpu.memory_space<vmem>>, vector<16xf32>,
      %get3A_45 = arith.constant 0 : index
      %get3A_46 = tpu.vector_load %arg9[%get3A_45] {strides = array<i32>} : memref<16xf32, #tpu.memory_space<vmem>>, vector<16xf32>,
      %get3A_47 = arith.constant 0 : index
      %get3A_48 = tpu.vector_load %arg9[%get3A_47] {strides = array<i32>} : memref<16xf32, #tpu.memory_space<vmem>>, vector<16xf32>,
      %get3A_49 = arith.constant 0 : index
      %get3A_50 = tpu.vector_load %arg9[%get3A_49] {strides = array<i32>} : memref<16xf32, #tpu.memory_space<vmem>>, vector<16xf32>,
      %get3A_51 = arith.constant 0 : index
      %get3A_52 = tpu.vector_load %arg9[%get3A_51] {strides = array<i32>} : memref<16xf32, #tpu.memory_space<vmem>>, vector<16xf32>,
      %get3A_53 = arith.constant 0 : index
      %get3A_54 = tpu.vector_load %arg9[%get3A_53] {strides = array<i32>} : memref<16xf32, #tpu.memory_space<vmem>>, vector<16xf32>,
      %get3A_55 = arith.constant 0 : index
      %get3A_56 = tpu.vector_load %arg9[%get3A_55] {strides = array<i32>} : memref<16xf32, #tpu.memory_space<vmem>>, vector<16xf32>,
      %get3A_57 = arith.constant 0 : index
      %get3A_58 = tpu.vector_load %arg9[%get3A_57] {strides = array<i32>} : memref<16xf32, #tpu.memory_space<vmem>>, vector<16xf32>,
      %get3A_59 = arith.constant 0 : index
      %get3A_60 = tpu.vector_load %arg9[%get3A_59] {strides = array<i32>} : memref<16xf32, #tpu.memory_space<vmem>>, vector<16xf32>,
      %get3A_61 = arith.constant 0 : index
      %get3A_62 = tpu.vector_load %arg9[%get3A_61] {strides = array<i32>} : memref<16xf32, #tpu.memory_space<vmem>>, vector<16xf32>,
      %get3A_63 = arith.constant 0 : index
      %get3A_64 = tpu.vector_load %arg9[%get3A_63] {strides = array<i32>} : memref<16xf32, #tpu.memory_space<vmem>>, vector<16xf32>,
      %get3A_65 = arith.constant 0 : index
      %get3A_66 = tpu.vector_load %arg9[%get3A_65] {strides = array<i32>} : memref<16xf32, #tpu.memory_space<vmem>>, vector<16xf32>,
      %get3A_67 = arith.constant 0 : index
      %get3A_68 = tpu.vector_load %arg9[%get3A_67] {strides = array<i32>} : memref<16xf32, #tpu.memory_space<vmem>>, vector<16xf32>,
      %get3A_69 = arith.constant 0 : index
      %get3A_70 = tpu.vector_load %arg9[%get3A_69] {strides = array<i32>} : memref<16xf32, #tpu.memory_space<vmem>>, vector<16xf32>,
      %get3A_71 = arith.constant 0 : index
      %get3A_72 = tpu.vector_load %arg9[%get3A_71] {strides = array<i32>} : memref<16xf32, #tpu.memory_space<vmem>>, vector<16xf32>,
      %get3A_73 = arith.constant 0 : index
      %get3A_74 = tpu.vector_load %arg9[%get3A_73] {strides = array<i32>} : memref<16xf32, #tpu.memory_space<vmem>>, vector<16xf32>,
      %get3A_75 = arith.constant 0 : index
      %get3A_76 = tpu.vector_load %arg9[%get3A_75] {strides = array<i32>} : memref<16xf32, #tpu.memory_space<vmem>>, vector<16xf32>,
      %get3A_77 = arith.constant 0 : index
      %get3A_78 = tpu.vector_load %arg9[%get3A_77] {strides = array<i32>} : memref<16xf32, #tpu.memory_space<vmem>>, vector<16xf32>,
      %get3A_79 = arith.constant 0 : index
      %get3A_80 = tpu.vector_load %arg9[%get3A_79] {strides = array<i32>} : memref<16xf32, #tpu.memory_space<vmem>>, vector<16xf32>,
      %get3A_81 = arith.constant 0 : index
      %get3A_82 = tpu.vector_load %arg9[%get3A_81] {strides = array<i32>} : memref<16xf32, #tpu.memory_space<vmem>>, vector<16xf32>,
      %get3A_83 = arith.constant 0 : index
      %get3A_84 = tpu.vector_load %arg9[%get3A_83] {strides = array<i32>} : memref<16xf32, #tpu.memory_space<vmem>>, vector<16xf32>,
      %get3A_85 = arith.constant 0 : index
      %get3A_86 = tpu.vector_load %arg9[%get3A_85] {strides = array<i32>} : memref<16xf32, #tpu.memory_space<vmem>>, vector<16xf32>,
      %get3A_87 = arith.constant 0 : index
      %get3A_88 = tpu.vector_load %arg9[%get3A_87] {strides = array<i32>} : memref<16xf32, #tpu.memory_space<vmem>>, vector<16xf32>,
      %get3A_89 = arith.constant 0 : index
      %get3A_90 = tpu.vector_load %arg9[%get3A_89] {strides = array<i32>} : memref<16xf32, #tpu.memory_space<vmem>>, vector<16xf32>,
      %get3A_91 = arith.constant 0 : index
      %get3A_92 = tpu.vector_load %arg9[%get3A_91] {strides = array<i32>} : memref<16xf32, #tpu.memory_space<vmem>>, vector<16xf32>,
      %get3A_93 = arith.constant 0 : index
      %get3A_94 = tpu.vector_load %arg9[%get3A_93] {strides = array<i32>} : memref<16xf32, #tpu.memory_space<vmem>>, vector<16xf32>,
      %get3A_95 = arith.constant 0 : index
      %get3A_96 = tpu.vector_load %arg9[%get3A_95] {strides = array<i32>} : memref<16xf32, #tpu.memory_space<vmem>>, vector<16xf32>,
      %get3A_97 = arith.constant 0 : index
      %get3A_98 = tpu.vector_load %arg9[%get3A_97] {strides = array<i32>} : memref<16xf32, #tpu.memory_space<vmem>>, vector<16xf32>,
      %get3A_99 = arith.constant 0 : index
      %get3A_100 = tpu.vector_load %arg9[%get3A_99] {strides = array<i32>} : memref<16xf32, #tpu.memory_space<vmem>>, vector<16xf32>,
      %scan3A_101 = arith.constant 0 : i32
      %scan3A_102 = arith.constant 64 : i32
      %scan3A_103 = arith.addi %scan3A_101, %scan3A_102 : i32
      %scan3A_104 = arith.constant 1 : i32
      %scan3A_105:32 = scf.for %scan3A_333 = %scan3A_101 to %scan3A_103 step %scan3A_104 iter_args(%scan3A_334 = %get3A_38, %scan3A_335 = %get3A_40, %scan3A_336 = %get3A_42, %scan3A_337 = %get3A_44, %scan3A_338 = %get3A_46, %scan3A_339 = %get3A_48, %scan3A_340 = %get3A_50, %scan3A_341 = %get3A_52, %scan3A_342 = %get3A_54, %scan3A_343 = %get3A_56, %scan3A_344 = %get3A_58, %scan3A_345 = %get3A_60, %scan3A_346 = %get3A_62, %scan3A_347 = %get3A_64, %scan3A_348 = %get3A_66, %scan3A_349 = %get3A_68, %scan3A_350 = %get3A_70, %scan3A_351 = %get3A_72, %scan3A_352 = %get3A_74, %scan3A_353 = %get3A_76, %scan3A_354 = %get3A_78, %scan3A_355 = %get3A_80, %scan3A_356 = %get3A_82, %scan3A_357 = %get3A_84, %scan3A_358 = %get3A_86, %scan3A_359 = %get3A_88, %scan3A_360 = %get3A_90, %scan3A_361 = %get3A_92, %scan3A_362 = %get3A_94, %scan3A_363 = %get3A_96, %scan3A_364 = %get3A_98, %scan3A_365 = %get3A_100) -> (vector<16xf32>, vector<16xf32>, vector<16xf32>, vector<16xf32>, vector<16xf32>, vector<16xf32>, vector<16xf32>, vector<16xf32>, vector<16xf32>, vector<16xf32>, vector<16xf32>, vector<16xf32>, vector<16xf32>, vector<16xf32>, vector<16xf32>, vector<16xf32>, vector<16xf32>, vector<16xf32>, vector<16xf32>, vector<16xf32>, vector<16xf32>, vector<16xf32>, vector<16xf32>, vector<16xf32>, vector<16xf32>, vector<16xf32>, vector<16xf32>, vector<16xf32>, vector<16xf32>, vector<16xf32>, vector<16xf32>, vector<16xf32>)  : i32 {
        %mul3A_366 = arith.constant 16 : i32
        %mul3A_367 = arith.muli %scan3A_333, %mul3A_366 : i32
        %get3A_368 = arith.index_cast %mul3A_367 : i32 to index
        %get3A_369 = tpu.vector_load %arg8[%get3A_368] {strides = array<i32>} : memref<1024xf32, #tpu.memory_space<vmem>>, vector<16xf32>,
        %get3A_370 = arith.index_cast %scan3A_333 : i32 to index
        %get3A_371 = arith.constant 0 : index
        %get3A_372 = tpu.vector_load %arg6[%get3A_370, %get3A_371] {strides = array<i32>} : memref<64x512xf32, #tpu.memory_space<vmem>>, vector<16xf32>,
        %mul3A_373 = arith.mulf %get3A_372, %get3A_369 : vector<16xf32>
        %add3A_374 = arith.addf %scan3A_334, %mul3A_373 : vector<16xf32>
        %get3A_375 = arith.index_cast %scan3A_333 : i32 to index
        %get3A_376 = arith.constant 16 : index
        %get3A_377 = tpu.vector_load %arg6[%get3A_375, %get3A_376] {strides = array<i32>} : memref<64x512xf32, #tpu.memory_space<vmem>>, vector<16xf32>,
        %mul3A_378 = arith.mulf %get3A_377, %get3A_369 : vector<16xf32>
        %add3A_379 = arith.addf %scan3A_335, %mul3A_378 : vector<16xf32>
        %get3A_380 = arith.index_cast %scan3A_333 : i32 to index
        %get3A_381 = arith.constant 32 : index
        %get3A_382 = tpu.vector_load %arg6[%get3A_380, %get3A_381] {strides = array<i32>} : memref<64x512xf32, #tpu.memory_space<vmem>>, vector<16xf32>,
        %mul3A_383 = arith.mulf %get3A_382, %get3A_369 : vector<16xf32>
        %add3A_384 = arith.addf %scan3A_336, %mul3A_383 : vector<16xf32>
        %get3A_385 = arith.index_cast %scan3A_333 : i32 to index
        %get3A_386 = arith.constant 48 : index
        %get3A_387 = tpu.vector_load %arg6[%get3A_385, %get3A_386] {strides = array<i32>} : memref<64x512xf32, #tpu.memory_space<vmem>>, vector<16xf32>,
        %mul3A_388 = arith.mulf %get3A_387, %get3A_369 : vector<16xf32>
        %add3A_389 = arith.addf %scan3A_337, %mul3A_388 : vector<16xf32>
        %get3A_390 = arith.index_cast %scan3A_333 : i32 to index
        %get3A_391 = arith.constant 64 : index
        %get3A_392 = tpu.vector_load %arg6[%get3A_390, %get3A_391] {strides = array<i32>} : memref<64x512xf32, #tpu.memory_space<vmem>>, vector<16xf32>,
        %mul3A_393 = arith.mulf %get3A_392, %get3A_369 : vector<16xf32>
        %add3A_394 = arith.addf %scan3A_338, %mul3A_393 : vector<16xf32>
        %get3A_395 = arith.index_cast %scan3A_333 : i32 to index
        %get3A_396 = arith.constant 80 : index
        %get3A_397 = tpu.vector_load %arg6[%get3A_395, %get3A_396] {strides = array<i32>} : memref<64x512xf32, #tpu.memory_space<vmem>>, vector<16xf32>,
        %mul3A_398 = arith.mulf %get3A_397, %get3A_369 : vector<16xf32>
        %add3A_399 = arith.addf %scan3A_339, %mul3A_398 : vector<16xf32>
        %get3A_400 = arith.index_cast %scan3A_333 : i32 to index
        %get3A_401 = arith.constant 96 : index
        %get3A_402 = tpu.vector_load %arg6[%get3A_400, %get3A_401] {strides = array<i32>} : memref<64x512xf32, #tpu.memory_space<vmem>>, vector<16xf32>,
        %mul3A_403 = arith.mulf %get3A_402, %get3A_369 : vector<16xf32>
        %add3A_404 = arith.addf %scan3A_340, %mul3A_403 : vector<16xf32>
        %get3A_405 = arith.index_cast %scan3A_333 : i32 to index
        %get3A_406 = arith.constant 112 : index
        %get3A_407 = tpu.vector_load %arg6[%get3A_405, %get3A_406] {strides = array<i32>} : memref<64x512xf32, #tpu.memory_space<vmem>>, vector<16xf32>,
        %mul3A_408 = arith.mulf %get3A_407, %get3A_369 : vector<16xf32>
        %add3A_409 = arith.addf %scan3A_341, %mul3A_408 : vector<16xf32>
        %get3A_410 = arith.index_cast %scan3A_333 : i32 to index
        %get3A_411 = arith.constant 128 : index
        %get3A_412 = tpu.vector_load %arg6[%get3A_410, %get3A_411] {strides = array<i32>} : memref<64x512xf32, #tpu.memory_space<vmem>>, vector<16xf32>,
        %mul3A_413 = arith.mulf %get3A_412, %get3A_369 : vector<16xf32>
        %add3A_414 = arith.addf %scan3A_342, %mul3A_413 : vector<16xf32>
        %get3A_415 = arith.index_cast %scan3A_333 : i32 to index
        %get3A_416 = arith.constant 144 : index
        %get3A_417 = tpu.vector_load %arg6[%get3A_415, %get3A_416] {strides = array<i32>} : memref<64x512xf32, #tpu.memory_space<vmem>>, vector<16xf32>,
        %mul3A_418 = arith.mulf %get3A_417, %get3A_369 : vector<16xf32>
        %add3A_419 = arith.addf %scan3A_343, %mul3A_418 : vector<16xf32>
        %get3A_420 = arith.index_cast %scan3A_333 : i32 to index
        %get3A_421 = arith.constant 160 : index
        %get3A_422 = tpu.vector_load %arg6[%get3A_420, %get3A_421] {strides = array<i32>} : memref<64x512xf32, #tpu.memory_space<vmem>>, vector<16xf32>,
        %mul3A_423 = arith.mulf %get3A_422, %get3A_369 : vector<16xf32>
        %add3A_424 = arith.addf %scan3A_344, %mul3A_423 : vector<16xf32>
        %get3A_425 = arith.index_cast %scan3A_333 : i32 to index
        %get3A_426 = arith.constant 176 : index
        %get3A_427 = tpu.vector_load %arg6[%get3A_425, %get3A_426] {strides = array<i32>} : memref<64x512xf32, #tpu.memory_space<vmem>>, vector<16xf32>,
        %mul3A_428 = arith.mulf %get3A_427, %get3A_369 : vector<16xf32>
        %add3A_429 = arith.addf %scan3A_345, %mul3A_428 : vector<16xf32>
        %get3A_430 = arith.index_cast %scan3A_333 : i32 to index
        %get3A_431 = arith.constant 192 : index
        %get3A_432 = tpu.vector_load %arg6[%get3A_430, %get3A_431] {strides = array<i32>} : memref<64x512xf32, #tpu.memory_space<vmem>>, vector<16xf32>,
        %mul3A_433 = arith.mulf %get3A_432, %get3A_369 : vector<16xf32>
        %add3A_434 = arith.addf %scan3A_346, %mul3A_433 : vector<16xf32>
        %get3A_435 = arith.index_cast %scan3A_333 : i32 to index
        %get3A_436 = arith.constant 208 : index
        %get3A_437 = tpu.vector_load %arg6[%get3A_435, %get3A_436] {strides = array<i32>} : memref<64x512xf32, #tpu.memory_space<vmem>>, vector<16xf32>,
        %mul3A_438 = arith.mulf %get3A_437, %get3A_369 : vector<16xf32>
        %add3A_439 = arith.addf %scan3A_347, %mul3A_438 : vector<16xf32>
        %get3A_440 = arith.index_cast %scan3A_333 : i32 to index
        %get3A_441 = arith.constant 224 : index
        %get3A_442 = tpu.vector_load %arg6[%get3A_440, %get3A_441] {strides = array<i32>} : memref<64x512xf32, #tpu.memory_space<vmem>>, vector<16xf32>,
        %mul3A_443 = arith.mulf %get3A_442, %get3A_369 : vector<16xf32>
        %add3A_444 = arith.addf %scan3A_348, %mul3A_443 : vector<16xf32>
        %get3A_445 = arith.index_cast %scan3A_333 : i32 to index
        %get3A_446 = arith.constant 240 : index
        %get3A_447 = tpu.vector_load %arg6[%get3A_445, %get3A_446] {strides = array<i32>} : memref<64x512xf32, #tpu.memory_space<vmem>>, vector<16xf32>,
        %mul3A_448 = arith.mulf %get3A_447, %get3A_369 : vector<16xf32>
        %add3A_449 = arith.addf %scan3A_349, %mul3A_448 : vector<16xf32>
        %get3A_450 = arith.index_cast %scan3A_333 : i32 to index
        %get3A_451 = arith.constant 256 : index
        %get3A_452 = tpu.vector_load %arg6[%get3A_450, %get3A_451] {strides = array<i32>} : memref<64x512xf32, #tpu.memory_space<vmem>>, vector<16xf32>,
        %mul3A_453 = arith.mulf %get3A_452, %get3A_369 : vector<16xf32>
        %add3A_454 = arith.addf %scan3A_350, %mul3A_453 : vector<16xf32>
        %get3A_455 = arith.index_cast %scan3A_333 : i32 to index
        %get3A_456 = arith.constant 272 : index
        %get3A_457 = tpu.vector_load %arg6[%get3A_455, %get3A_456] {strides = array<i32>} : memref<64x512xf32, #tpu.memory_space<vmem>>, vector<16xf32>,
        %mul3A_458 = arith.mulf %get3A_457, %get3A_369 : vector<16xf32>
        %add3A_459 = arith.addf %scan3A_351, %mul3A_458 : vector<16xf32>
        %get3A_460 = arith.index_cast %scan3A_333 : i32 to index
        %get3A_461 = arith.constant 288 : index
        %get3A_462 = tpu.vector_load %arg6[%get3A_460, %get3A_461] {strides = array<i32>} : memref<64x512xf32, #tpu.memory_space<vmem>>, vector<16xf32>,
        %mul3A_463 = arith.mulf %get3A_462, %get3A_369 : vector<16xf32>
        %add3A_464 = arith.addf %scan3A_352, %mul3A_463 : vector<16xf32>
        %get3A_465 = arith.index_cast %scan3A_333 : i32 to index
        %get3A_466 = arith.constant 304 : index
        %get3A_467 = tpu.vector_load %arg6[%get3A_465, %get3A_466] {strides = array<i32>} : memref<64x512xf32, #tpu.memory_space<vmem>>, vector<16xf32>,
        %mul3A_468 = arith.mulf %get3A_467, %get3A_369 : vector<16xf32>
        %add3A_469 = arith.addf %scan3A_353, %mul3A_468 : vector<16xf32>
        %get3A_470 = arith.index_cast %scan3A_333 : i32 to index
        %get3A_471 = arith.constant 320 : index
        %get3A_472 = tpu.vector_load %arg6[%get3A_470, %get3A_471] {strides = array<i32>} : memref<64x512xf32, #tpu.memory_space<vmem>>, vector<16xf32>,
        %mul3A_473 = arith.mulf %get3A_472, %get3A_369 : vector<16xf32>
        %add3A_474 = arith.addf %scan3A_354, %mul3A_473 : vector<16xf32>
        %get3A_475 = arith.index_cast %scan3A_333 : i32 to index
        %get3A_476 = arith.constant 336 : index
        %get3A_477 = tpu.vector_load %arg6[%get3A_475, %get3A_476] {strides = array<i32>} : memref<64x512xf32, #tpu.memory_space<vmem>>, vector<16xf32>,
        %mul3A_478 = arith.mulf %get3A_477, %get3A_369 : vector<16xf32>
        %add3A_479 = arith.addf %scan3A_355, %mul3A_478 : vector<16xf32>
        %get3A_480 = arith.index_cast %scan3A_333 : i32 to index
        %get3A_481 = arith.constant 352 : index
        %get3A_482 = tpu.vector_load %arg6[%get3A_480, %get3A_481] {strides = array<i32>} : memref<64x512xf32, #tpu.memory_space<vmem>>, vector<16xf32>,
        %mul3A_483 = arith.mulf %get3A_482, %get3A_369 : vector<16xf32>
        %add3A_484 = arith.addf %scan3A_356, %mul3A_483 : vector<16xf32>
        %get3A_485 = arith.index_cast %scan3A_333 : i32 to index
        %get3A_486 = arith.constant 368 : index
        %get3A_487 = tpu.vector_load %arg6[%get3A_485, %get3A_486] {strides = array<i32>} : memref<64x512xf32, #tpu.memory_space<vmem>>, vector<16xf32>,
        %mul3A_488 = arith.mulf %get3A_487, %get3A_369 : vector<16xf32>
        %add3A_489 = arith.addf %scan3A_357, %mul3A_488 : vector<16xf32>
        %get3A_490 = arith.index_cast %scan3A_333 : i32 to index
        %get3A_491 = arith.constant 384 : index
        %get3A_492 = tpu.vector_load %arg6[%get3A_490, %get3A_491] {strides = array<i32>} : memref<64x512xf32, #tpu.memory_space<vmem>>, vector<16xf32>,
        %mul3A_493 = arith.mulf %get3A_492, %get3A_369 : vector<16xf32>
        %add3A_494 = arith.addf %scan3A_358, %mul3A_493 : vector<16xf32>
        %get3A_495 = arith.index_cast %scan3A_333 : i32 to index
        %get3A_496 = arith.constant 400 : index
        %get3A_497 = tpu.vector_load %arg6[%get3A_495, %get3A_496] {strides = array<i32>} : memref<64x512xf32, #tpu.memory_space<vmem>>, vector<16xf32>,
        %mul3A_498 = arith.mulf %get3A_497, %get3A_369 : vector<16xf32>
        %add3A_499 = arith.addf %scan3A_359, %mul3A_498 : vector<16xf32>
        %get3A_500 = arith.index_cast %scan3A_333 : i32 to index
        %get3A_501 = arith.constant 416 : index
        %get3A_502 = tpu.vector_load %arg6[%get3A_500, %get3A_501] {strides = array<i32>} : memref<64x512xf32, #tpu.memory_space<vmem>>, vector<16xf32>,
        %mul3A_503 = arith.mulf %get3A_502, %get3A_369 : vector<16xf32>
        %add3A_504 = arith.addf %scan3A_360, %mul3A_503 : vector<16xf32>
        %get3A_505 = arith.index_cast %scan3A_333 : i32 to index
        %get3A_506 = arith.constant 432 : index
        %get3A_507 = tpu.vector_load %arg6[%get3A_505, %get3A_506] {strides = array<i32>} : memref<64x512xf32, #tpu.memory_space<vmem>>, vector<16xf32>,
        %mul3A_508 = arith.mulf %get3A_507, %get3A_369 : vector<16xf32>
        %add3A_509 = arith.addf %scan3A_361, %mul3A_508 : vector<16xf32>
        %get3A_510 = arith.index_cast %scan3A_333 : i32 to index
        %get3A_511 = arith.constant 448 : index
        %get3A_512 = tpu.vector_load %arg6[%get3A_510, %get3A_511] {strides = array<i32>} : memref<64x512xf32, #tpu.memory_space<vmem>>, vector<16xf32>,
        %mul3A_513 = arith.mulf %get3A_512, %get3A_369 : vector<16xf32>
        %add3A_514 = arith.addf %scan3A_362, %mul3A_513 : vector<16xf32>
        %get3A_515 = arith.index_cast %scan3A_333 : i32 to index
        %get3A_516 = arith.constant 464 : index
        %get3A_517 = tpu.vector_load %arg6[%get3A_515, %get3A_516] {strides = array<i32>} : memref<64x512xf32, #tpu.memory_space<vmem>>, vector<16xf32>,
        %mul3A_518 = arith.mulf %get3A_517, %get3A_369 : vector<16xf32>
        %add3A_519 = arith.addf %scan3A_363, %mul3A_518 : vector<16xf32>
        %get3A_520 = arith.index_cast %scan3A_333 : i32 to index
        %get3A_521 = arith.constant 480 : index
        %get3A_522 = tpu.vector_load %arg6[%get3A_520, %get3A_521] {strides = array<i32>} : memref<64x512xf32, #tpu.memory_space<vmem>>, vector<16xf32>,
        %mul3A_523 = arith.mulf %get3A_522, %get3A_369 : vector<16xf32>
        %add3A_524 = arith.addf %scan3A_364, %mul3A_523 : vector<16xf32>
        %get3A_525 = arith.index_cast %scan3A_333 : i32 to index
        %get3A_526 = arith.constant 496 : index
        %get3A_527 = tpu.vector_load %arg6[%get3A_525, %get3A_526] {strides = array<i32>} : memref<64x512xf32, #tpu.memory_space<vmem>>, vector<16xf32>,
        %mul3A_528 = arith.mulf %get3A_527, %get3A_369 : vector<16xf32>
        %add3A_529 = arith.addf %scan3A_365, %mul3A_528 : vector<16xf32>
        scf.yield %add3A_374, %add3A_379, %add3A_384, %add3A_389, %add3A_394, %add3A_399, %add3A_404, %add3A_409, %add3A_414, %add3A_419, %add3A_424, %add3A_429, %add3A_434, %add3A_439, %add3A_444, %add3A_449, %add3A_454, %add3A_459, %add3A_464, %add3A_469, %add3A_474, %add3A_479, %add3A_484, %add3A_489, %add3A_494, %add3A_499, %add3A_504, %add3A_509, %add3A_514, %add3A_519, %add3A_524, %add3A_529 : vector<16xf32>, vector<16xf32>, vector<16xf32>, vector<16xf32>, vector<16xf32>, vector<16xf32>, vector<16xf32>, vector<16xf32>, vector<16xf32>, vector<16xf32>, vector<16xf32>, vector<16xf32>, vector<16xf32>, vector<16xf32>, vector<16xf32>, vector<16xf32>, vector<16xf32>, vector<16xf32>, vector<16xf32>, vector<16xf32>, vector<16xf32>, vector<16xf32>, vector<16xf32>, vector<16xf32>, vector<16xf32>, vector<16xf32>, vector<16xf32>, vector<16xf32>, vector<16xf32>, vector<16xf32>, vector<16xf32>, vector<16xf32>
      }
      %scan3A_106 = arith.constant 64 : i32
      %swap3A = arith.constant 0 : index
      %swap3A_107 = tpu.vector_load %arg10[%swap3A] {strides = array<i32>} : memref<512xf32, #tpu.memory_space<vmem>>, vector<16xf32>,
      tpu.vector_store %arg10[%swap3A], %scan3A_105#0 {strides = array<i32>} : memref<512xf32, #tpu.memory_space<vmem>>, vector<16xf32>,
      %swap3A_108 = arith.constant 16 : index
      %swap3A_109 = tpu.vector_load %arg10[%swap3A_108] {strides = array<i32>} : memref<512xf32, #tpu.memory_space<vmem>>, vector<16xf32>,
      tpu.vector_store %arg10[%swap3A_108], %scan3A_105#1 {strides = array<i32>} : memref<512xf32, #tpu.memory_space<vmem>>, vector<16xf32>,
      %swap3A_110 = arith.constant 32 : index
      %swap3A_111 = tpu.vector_load %arg10[%swap3A_110] {strides = array<i32>} : memref<512xf32, #tpu.memory_space<vmem>>, vector<16xf32>,
      tpu.vector_store %arg10[%swap3A_110], %scan3A_105#2 {strides = array<i32>} : memref<512xf32, #tpu.memory_space<vmem>>, vector<16xf32>,
      %swap3A_112 = arith.constant 48 : index
      %swap3A_113 = tpu.vector_load %arg10[%swap3A_112] {strides = array<i32>} : memref<512xf32, #tpu.memory_space<vmem>>, vector<16xf32>,
      tpu.vector_store %arg10[%swap3A_112], %scan3A_105#3 {strides = array<i32>} : memref<512xf32, #tpu.memory_space<vmem>>, vector<16xf32>,
      %swap3A_114 = arith.constant 64 : index
      %swap3A_115 = tpu.vector_load %arg10[%swap3A_114] {strides = array<i32>} : memref<512xf32, #tpu.memory_space<vmem>>, vector<16xf32>,
      tpu.vector_store %arg10[%swap3A_114], %scan3A_105#4 {strides = array<i32>} : memref<512xf32, #tpu.memory_space<vmem>>, vector<16xf32>,
      %swap3A_116 = arith.constant 80 : index
      %swap3A_117 = tpu.vector_load %arg10[%swap3A_116] {strides = array<i32>} : memref<512xf32, #tpu.memory_space<vmem>>, vector<16xf32>,
      tpu.vector_store %arg10[%swap3A_116], %scan3A_105#5 {strides = array<i32>} : memref<512xf32, #tpu.memory_space<vmem>>, vector<16xf32>,
      %swap3A_118 = arith.constant 96 : index
      %swap3A_119 = tpu.vector_load %arg10[%swap3A_118] {strides = array<i32>} : memref<512xf32, #tpu.memory_space<vmem>>, vector<16xf32>,
      tpu.vector_store %arg10[%swap3A_118], %scan3A_105#6 {strides = array<i32>} : memref<512xf32, #tpu.memory_space<vmem>>, vector<16xf32>,
      %swap3A_120 = arith.constant 112 : index
      %swap3A_121 = tpu.vector_load %arg10[%swap3A_120] {strides = array<i32>} : memref<512xf32, #tpu.memory_space<vmem>>, vector<16xf32>,
      tpu.vector_store %arg10[%swap3A_120], %scan3A_105#7 {strides = array<i32>} : memref<512xf32, #tpu.memory_space<vmem>>, vector<16xf32>,
      %swap3A_122 = arith.constant 128 : index
      %swap3A_123 = tpu.vector_load %arg10[%swap3A_122] {strides = array<i32>} : memref<512xf32, #tpu.memory_space<vmem>>, vector<16xf32>,
      tpu.vector_store %arg10[%swap3A_122], %scan3A_105#8 {strides = array<i32>} : memref<512xf32, #tpu.memory_space<vmem>>, vector<16xf32>,
      %swap3A_124 = arith.constant 144 : index
      %swap3A_125 = tpu.vector_load %arg10[%swap3A_124] {strides = array<i32>} : memref<512xf32, #tpu.memory_space<vmem>>, vector<16xf32>,
      tpu.vector_store %arg10[%swap3A_124], %scan3A_105#9 {strides = array<i32>} : memref<512xf32, #tpu.memory_space<vmem>>, vector<16xf32>,
      %swap3A_126 = arith.constant 160 : index
      %swap3A_127 = tpu.vector_load %arg10[%swap3A_126] {strides = array<i32>} : memref<512xf32, #tpu.memory_space<vmem>>, vector<16xf32>,
      tpu.vector_store %arg10[%swap3A_126], %scan3A_105#10 {strides = array<i32>} : memref<512xf32, #tpu.memory_space<vmem>>, vector<16xf32>,
      %swap3A_128 = arith.constant 176 : index
      %swap3A_129 = tpu.vector_load %arg10[%swap3A_128] {strides = array<i32>} : memref<512xf32, #tpu.memory_space<vmem>>, vector<16xf32>,
      tpu.vector_store %arg10[%swap3A_128], %scan3A_105#11 {strides = array<i32>} : memref<512xf32, #tpu.memory_space<vmem>>, vector<16xf32>,
      %swap3A_130 = arith.constant 192 : index
      %swap3A_131 = tpu.vector_load %arg10[%swap3A_130] {strides = array<i32>} : memref<512xf32, #tpu.memory_space<vmem>>, vector<16xf32>,
      tpu.vector_store %arg10[%swap3A_130], %scan3A_105#12 {strides = array<i32>} : memref<512xf32, #tpu.memory_space<vmem>>, vector<16xf32>,
      %swap3A_132 = arith.constant 208 : index
      %swap3A_133 = tpu.vector_load %arg10[%swap3A_132] {strides = array<i32>} : memref<512xf32, #tpu.memory_space<vmem>>, vector<16xf32>,
      tpu.vector_store %arg10[%swap3A_132], %scan3A_105#13 {strides = array<i32>} : memref<512xf32, #tpu.memory_space<vmem>>, vector<16xf32>,
      %swap3A_134 = arith.constant 224 : index
      %swap3A_135 = tpu.vector_load %arg10[%swap3A_134] {strides = array<i32>} : memref<512xf32, #tpu.memory_space<vmem>>, vector<16xf32>,
      tpu.vector_store %arg10[%swap3A_134], %scan3A_105#14 {strides = array<i32>} : memref<512xf32, #tpu.memory_space<vmem>>, vector<16xf32>,
      %swap3A_136 = arith.constant 240 : index
      %swap3A_137 = tpu.vector_load %arg10[%swap3A_136] {strides = array<i32>} : memref<512xf32, #tpu.memory_space<vmem>>, vector<16xf32>,
      tpu.vector_store %arg10[%swap3A_136], %scan3A_105#15 {strides = array<i32>} : memref<512xf32, #tpu.memory_space<vmem>>, vector<16xf32>,
      %swap3A_138 = arith.constant 256 : index
      %swap3A_139 = tpu.vector_load %arg10[%swap3A_138] {strides = array<i32>} : memref<512xf32, #tpu.memory_space<vmem>>, vector<16xf32>,
      tpu.vector_store %arg10[%swap3A_138], %scan3A_105#16 {strides = array<i32>} : memref<512xf32, #tpu.memory_space<vmem>>, vector<16xf32>,
      %swap3A_140 = arith.constant 272 : index
      %swap3A_141 = tpu.vector_load %arg10[%swap3A_140] {strides = array<i32>} : memref<512xf32, #tpu.memory_space<vmem>>, vector<16xf32>,
      tpu.vector_store %arg10[%swap3A_140], %scan3A_105#17 {strides = array<i32>} : memref<512xf32, #tpu.memory_space<vmem>>, vector<16xf32>,
      %swap3A_142 = arith.constant 288 : index
      %swap3A_143 = tpu.vector_load %arg10[%swap3A_142] {strides = array<i32>} : memref<512xf32, #tpu.memory_space<vmem>>, vector<16xf32>,
      tpu.vector_store %arg10[%swap3A_142], %scan3A_105#18 {strides = array<i32>} : memref<512xf32, #tpu.memory_space<vmem>>, vector<16xf32>,
      %swap3A_144 = arith.constant 304 : index
      %swap3A_145 = tpu.vector_load %arg10[%swap3A_144] {strides = array<i32>} : memref<512xf32, #tpu.memory_space<vmem>>, vector<16xf32>,
      tpu.vector_store %arg10[%swap3A_144], %scan3A_105#19 {strides = array<i32>} : memref<512xf32, #tpu.memory_space<vmem>>, vector<16xf32>,
      %swap3A_146 = arith.constant 320 : index
      %swap3A_147 = tpu.vector_load %arg10[%swap3A_146] {strides = array<i32>} : memref<512xf32, #tpu.memory_space<vmem>>, vector<16xf32>,
      tpu.vector_store %arg10[%swap3A_146], %scan3A_105#20 {strides = array<i32>} : memref<512xf32, #tpu.memory_space<vmem>>, vector<16xf32>,
      %swap3A_148 = arith.constant 336 : index
      %swap3A_149 = tpu.vector_load %arg10[%swap3A_148] {strides = array<i32>} : memref<512xf32, #tpu.memory_space<vmem>>, vector<16xf32>,
      tpu.vector_store %arg10[%swap3A_148], %scan3A_105#21 {strides = array<i32>} : memref<512xf32, #tpu.memory_space<vmem>>, vector<16xf32>,
      %swap3A_150 = arith.constant 352 : index
      %swap3A_151 = tpu.vector_load %arg10[%swap3A_150] {strides = array<i32>} : memref<512xf32, #tpu.memory_space<vmem>>, vector<16xf32>,
      tpu.vector_store %arg10[%swap3A_150], %scan3A_105#22 {strides = array<i32>} : memref<512xf32, #tpu.memory_space<vmem>>, vector<16xf32>,
      %swap3A_152 = arith.constant 368 : index
      %swap3A_153 = tpu.vector_load %arg10[%swap3A_152] {strides = array<i32>} : memref<512xf32, #tpu.memory_space<vmem>>, vector<16xf32>,
      tpu.vector_store %arg10[%swap3A_152], %scan3A_105#23 {strides = array<i32>} : memref<512xf32, #tpu.memory_space<vmem>>, vector<16xf32>,
      %swap3A_154 = arith.constant 384 : index
      %swap3A_155 = tpu.vector_load %arg10[%swap3A_154] {strides = array<i32>} : memref<512xf32, #tpu.memory_space<vmem>>, vector<16xf32>,
      tpu.vector_store %arg10[%swap3A_154], %scan3A_105#24 {strides = array<i32>} : memref<512xf32, #tpu.memory_space<vmem>>, vector<16xf32>,
      %swap3A_156 = arith.constant 400 : index
      %swap3A_157 = tpu.vector_load %arg10[%swap3A_156] {strides = array<i32>} : memref<512xf32, #tpu.memory_space<vmem>>, vector<16xf32>,
      tpu.vector_store %arg10[%swap3A_156], %scan3A_105#25 {strides = array<i32>} : memref<512xf32, #tpu.memory_space<vmem>>, vector<16xf32>,
      %swap3A_158 = arith.constant 416 : index
      %swap3A_159 = tpu.vector_load %arg10[%swap3A_158] {strides = array<i32>} : memref<512xf32, #tpu.memory_space<vmem>>, vector<16xf32>,
      tpu.vector_store %arg10[%swap3A_158], %scan3A_105#26 {strides = array<i32>} : memref<512xf32, #tpu.memory_space<vmem>>, vector<16xf32>,
      %swap3A_160 = arith.constant 432 : index
      %swap3A_161 = tpu.vector_load %arg10[%swap3A_160] {strides = array<i32>} : memref<512xf32, #tpu.memory_space<vmem>>, vector<16xf32>,
      tpu.vector_store %arg10[%swap3A_160], %scan3A_105#27 {strides = array<i32>} : memref<512xf32, #tpu.memory_space<vmem>>, vector<16xf32>,
      %swap3A_162 = arith.constant 448 : index
      %swap3A_163 = tpu.vector_load %arg10[%swap3A_162] {strides = array<i32>} : memref<512xf32, #tpu.memory_space<vmem>>, vector<16xf32>,
      tpu.vector_store %arg10[%swap3A_162], %scan3A_105#28 {strides = array<i32>} : memref<512xf32, #tpu.memory_space<vmem>>, vector<16xf32>,
      %swap3A_164 = arith.constant 464 : index
      %swap3A_165 = tpu.vector_load %arg10[%swap3A_164] {strides = array<i32>} : memref<512xf32, #tpu.memory_space<vmem>>, vector<16xf32>,
      tpu.vector_store %arg10[%swap3A_164], %scan3A_105#29 {strides = array<i32>} : memref<512xf32, #tpu.memory_space<vmem>>, vector<16xf32>,
      %swap3A_166 = arith.constant 480 : index
      %swap3A_167 = tpu.vector_load %arg10[%swap3A_166] {strides = array<i32>} : memref<512xf32, #tpu.memory_space<vmem>>, vector<16xf32>,
      tpu.vector_store %arg10[%swap3A_166], %scan3A_105#30 {strides = array<i32>} : memref<512xf32, #tpu.memory_space<vmem>>, vector<16xf32>,
      %swap3A_168 = arith.constant 496 : index
      %swap3A_169 = tpu.vector_load %arg10[%swap3A_168] {strides = array<i32>} : memref<512xf32, #tpu.memory_space<vmem>>, vector<16xf32>,
      tpu.vector_store %arg10[%swap3A_168], %scan3A_105#31 {strides = array<i32>} : memref<512xf32, #tpu.memory_space<vmem>>, vector<16xf32>,
      %mul3A_170 = arith.constant 512 : i32
      %mul3A_171 = arith.muli %mul3A_20, %mul3A_170 : i32
      %add3A_172 = arith.addi %mul3A_2, %mul3A_171 : i32
      %dma_start3A_173 = tpu.memref_slice %arg5[%add3A_172] : memref<622592xf32, #tpu.memory_space<hbm>> -> memref<512xf32, #tpu.memory_space<hbm>>
      %dma_start3A_174 = tpu.memref_slice %arg5[%add3A_172] : memref<622592xf32, #tpu.memory_space<hbm>> -> memref<512xf32, #tpu.memory_space<hbm>>
      tpu.enqueue_dma source(%arg10 : memref<512xf32, #tpu.memory_space<vmem>>) target(%dma_start3A_174 : memref<512xf32, #tpu.memory_space<hbm>>) target_semaphore(%arg14 : memref<!tpu.dma_semaphore, #tpu.memory_space<semaphore_mem>>)
      %dma_wait3A_175 = arith.constant 0 : i32
      %dma_wait3A_176 = arith.constant 0 : i32
      %dma_wait3A_177 = tpu.memref_slice %arg2[%dma_wait3A_175, %dma_wait3A_176] : memref<64x1000000xf32, #tpu.memory_space<hbm>> -> memref<64x512xf32, #tpu.memory_space<hbm>>
      %dma_wait3A_178 = arith.constant 0 : i32
      %dma_wait3A_179 = arith.constant 0 : i32
      %dma_wait3A_180 = tpu.memref_slice %arg2[%dma_wait3A_178, %dma_wait3A_179] : memref<64x1000000xf32, #tpu.memory_space<hbm>> -> memref<64x512xf32, #tpu.memory_space<hbm>>
      tpu.wait_dma2 semaphore(%arg13 : memref<!tpu.dma_semaphore, #tpu.memory_space<semaphore_mem>>) src(%dma_wait3A_180 : memref<64x512xf32, #tpu.memory_space<hbm>>) dst(%arg7 : memref<64x512xf32, #tpu.memory_space<vmem>>)
      %add3A_181 = arith.constant 1 : i32
      %add3A_182 = arith.addi %scan3A_18, %add3A_181 : i32
      %lt3A = arith.constant 19 : i32
      %lt3A_183 = arith.cmpi slt, %add3A_182, %lt3A : i32
      %convert_element_type3A_184 = arith.extui %lt3A_183 : i1 to i32
      %cond3A_185 = arith.constant 0 : i32
      %cond3A_186 = arith.cmpi ne, %convert_element_type3A_184, %cond3A_185 : i32
      scf.if %cond3A_186 {
        %add3A_333 = arith.constant 2 : i32
        %add3A_334 = arith.addi %mul3A_20, %add3A_333 : i32
        %mul3A_335 = arith.constant 512 : i32
        %mul3A_336 = arith.muli %add3A_334, %mul3A_335 : i32
        %add3A_337 = arith.addi %mul3A_2, %mul3A_336 : i32
        %dma_start3A_338 = arith.constant 0 : i32
        %dma_start3A_339 = tpu.memref_slice %arg2[%dma_start3A_338, %add3A_337] : memref<64x1000000xf32, #tpu.memory_space<hbm>> -> memref<64x512xf32, #tpu.memory_space<hbm>>
        %dma_start3A_340 = arith.constant 0 : i32
        %dma_start3A_341 = tpu.memref_slice %arg2[%dma_start3A_340, %add3A_337] : memref<64x1000000xf32, #tpu.memory_space<hbm>> -> memref<64x512xf32, #tpu.memory_space<hbm>>
        tpu.enqueue_dma source(%dma_start3A_341 : memref<64x512xf32, #tpu.memory_space<hbm>>) target(%arg6 : memref<64x512xf32, #tpu.memory_space<vmem>>) target_semaphore(%arg12 : memref<!tpu.dma_semaphore, #tpu.memory_space<semaphore_mem>>)
      } else {
      }
      %gt3A_187 = arith.constant 0 : i32
      %gt3A_188 = arith.cmpi sgt, %scan3A_18, %gt3A_187 : i32
      %convert_element_type3A_189 = arith.extui %gt3A_188 : i1 to i32
      %cond3A_190 = arith.constant 0 : i32
      %cond3A_191 = arith.cmpi ne, %convert_element_type3A_189, %cond3A_190 : i32
      scf.if %cond3A_191 {
        %dma_wait3A_333 = arith.constant 0 : i32
        %dma_wait3A_334 = tpu.memref_slice %arg5[%dma_wait3A_333] : memref<622592xf32, #tpu.memory_space<hbm>> -> memref<512xf32, #tpu.memory_space<hbm>>
        %dma_wait3A_335 = arith.constant 0 : i32
        %dma_wait3A_336 = tpu.memref_slice %arg5[%dma_wait3A_335] : memref<622592xf32, #tpu.memory_space<hbm>> -> memref<512xf32, #tpu.memory_space<hbm>>
        tpu.wait_dma2 semaphore(%arg15 : memref<!tpu.dma_semaphore, #tpu.memory_space<semaphore_mem>>) src(%arg11 : memref<512xf32, #tpu.memory_space<vmem>>) dst(%dma_wait3A_336 : memref<512xf32, #tpu.memory_space<hbm>>)
      } else {
      }
      %get3A_192 = arith.constant 0 : index
      %get3A_193 = tpu.vector_load %arg9[%get3A_192] {strides = array<i32>} : memref<16xf32, #tpu.memory_space<vmem>>, vector<16xf32>,
      %get3A_194 = arith.constant 0 : index
      %get3A_195 = tpu.vector_load %arg9[%get3A_194] {strides = array<i32>} : memref<16xf32, #tpu.memory_space<vmem>>, vector<16xf32>,
      %get3A_196 = arith.constant 0 : index
      %get3A_197 = tpu.vector_load %arg9[%get3A_196] {strides = array<i32>} : memref<16xf32, #tpu.memory_space<vmem>>, vector<16xf32>,
      %get3A_198 = arith.constant 0 : index
      %get3A_199 = tpu.vector_load %arg9[%get3A_198] {strides = array<i32>} : memref<16xf32, #tpu.memory_space<vmem>>, vector<16xf32>,
      %get3A_200 = arith.constant 0 : index
      %get3A_201 = tpu.vector_load %arg9[%get3A_200] {strides = array<i32>} : memref<16xf32, #tpu.memory_space<vmem>>, vector<16xf32>,
      %get3A_202 = arith.constant 0 : index
      %get3A_203 = tpu.vector_load %arg9[%get3A_202] {strides = array<i32>} : memref<16xf32, #tpu.memory_space<vmem>>, vector<16xf32>,
      %get3A_204 = arith.constant 0 : index
      %get3A_205 = tpu.vector_load %arg9[%get3A_204] {strides = array<i32>} : memref<16xf32, #tpu.memory_space<vmem>>, vector<16xf32>,
      %get3A_206 = arith.constant 0 : index
      %get3A_207 = tpu.vector_load %arg9[%get3A_206] {strides = array<i32>} : memref<16xf32, #tpu.memory_space<vmem>>, vector<16xf32>,
      %get3A_208 = arith.constant 0 : index
      %get3A_209 = tpu.vector_load %arg9[%get3A_208] {strides = array<i32>} : memref<16xf32, #tpu.memory_space<vmem>>, vector<16xf32>,
      %get3A_210 = arith.constant 0 : index
      %get3A_211 = tpu.vector_load %arg9[%get3A_210] {strides = array<i32>} : memref<16xf32, #tpu.memory_space<vmem>>, vector<16xf32>,
      %get3A_212 = arith.constant 0 : index
      %get3A_213 = tpu.vector_load %arg9[%get3A_212] {strides = array<i32>} : memref<16xf32, #tpu.memory_space<vmem>>, vector<16xf32>,
      %get3A_214 = arith.constant 0 : index
      %get3A_215 = tpu.vector_load %arg9[%get3A_214] {strides = array<i32>} : memref<16xf32, #tpu.memory_space<vmem>>, vector<16xf32>,
      %get3A_216 = arith.constant 0 : index
      %get3A_217 = tpu.vector_load %arg9[%get3A_216] {strides = array<i32>} : memref<16xf32, #tpu.memory_space<vmem>>, vector<16xf32>,
      %get3A_218 = arith.constant 0 : index
      %get3A_219 = tpu.vector_load %arg9[%get3A_218] {strides = array<i32>} : memref<16xf32, #tpu.memory_space<vmem>>, vector<16xf32>,
      %get3A_220 = arith.constant 0 : index
      %get3A_221 = tpu.vector_load %arg9[%get3A_220] {strides = array<i32>} : memref<16xf32, #tpu.memory_space<vmem>>, vector<16xf32>,
      %get3A_222 = arith.constant 0 : index
      %get3A_223 = tpu.vector_load %arg9[%get3A_222] {strides = array<i32>} : memref<16xf32, #tpu.memory_space<vmem>>, vector<16xf32>,
      %get3A_224 = arith.constant 0 : index
      %get3A_225 = tpu.vector_load %arg9[%get3A_224] {strides = array<i32>} : memref<16xf32, #tpu.memory_space<vmem>>, vector<16xf32>,
      %get3A_226 = arith.constant 0 : index
      %get3A_227 = tpu.vector_load %arg9[%get3A_226] {strides = array<i32>} : memref<16xf32, #tpu.memory_space<vmem>>, vector<16xf32>,
      %get3A_228 = arith.constant 0 : index
      %get3A_229 = tpu.vector_load %arg9[%get3A_228] {strides = array<i32>} : memref<16xf32, #tpu.memory_space<vmem>>, vector<16xf32>,
      %get3A_230 = arith.constant 0 : index
      %get3A_231 = tpu.vector_load %arg9[%get3A_230] {strides = array<i32>} : memref<16xf32, #tpu.memory_space<vmem>>, vector<16xf32>,
      %get3A_232 = arith.constant 0 : index
      %get3A_233 = tpu.vector_load %arg9[%get3A_232] {strides = array<i32>} : memref<16xf32, #tpu.memory_space<vmem>>, vector<16xf32>,
      %get3A_234 = arith.constant 0 : index
      %get3A_235 = tpu.vector_load %arg9[%get3A_234] {strides = array<i32>} : memref<16xf32, #tpu.memory_space<vmem>>, vector<16xf32>,
      %get3A_236 = arith.constant 0 : index
      %get3A_237 = tpu.vector_load %arg9[%get3A_236] {strides = array<i32>} : memref<16xf32, #tpu.memory_space<vmem>>, vector<16xf32>,
      %get3A_238 = arith.constant 0 : index
      %get3A_239 = tpu.vector_load %arg9[%get3A_238] {strides = array<i32>} : memref<16xf32, #tpu.memory_space<vmem>>, vector<16xf32>,
      %get3A_240 = arith.constant 0 : index
      %get3A_241 = tpu.vector_load %arg9[%get3A_240] {strides = array<i32>} : memref<16xf32, #tpu.memory_space<vmem>>, vector<16xf32>,
      %get3A_242 = arith.constant 0 : index
      %get3A_243 = tpu.vector_load %arg9[%get3A_242] {strides = array<i32>} : memref<16xf32, #tpu.memory_space<vmem>>, vector<16xf32>,
      %get3A_244 = arith.constant 0 : index
      %get3A_245 = tpu.vector_load %arg9[%get3A_244] {strides = array<i32>} : memref<16xf32, #tpu.memory_space<vmem>>, vector<16xf32>,
      %get3A_246 = arith.constant 0 : index
      %get3A_247 = tpu.vector_load %arg9[%get3A_246] {strides = array<i32>} : memref<16xf32, #tpu.memory_space<vmem>>, vector<16xf32>,
      %get3A_248 = arith.constant 0 : index
      %get3A_249 = tpu.vector_load %arg9[%get3A_248] {strides = array<i32>} : memref<16xf32, #tpu.memory_space<vmem>>, vector<16xf32>,
      %get3A_250 = arith.constant 0 : index
      %get3A_251 = tpu.vector_load %arg9[%get3A_250] {strides = array<i32>} : memref<16xf32, #tpu.memory_space<vmem>>, vector<16xf32>,
      %get3A_252 = arith.constant 0 : index
      %get3A_253 = tpu.vector_load %arg9[%get3A_252] {strides = array<i32>} : memref<16xf32, #tpu.memory_space<vmem>>, vector<16xf32>,
      %get3A_254 = arith.constant 0 : index
      %get3A_255 = tpu.vector_load %arg9[%get3A_254] {strides = array<i32>} : memref<16xf32, #tpu.memory_space<vmem>>, vector<16xf32>,
      %scan3A_256 = arith.constant 0 : i32
      %scan3A_257 = arith.constant 64 : i32
      %scan3A_258 = arith.addi %scan3A_256, %scan3A_257 : i32
      %scan3A_259 = arith.constant 1 : i32
      %scan3A_260:32 = scf.for %scan3A_333 = %scan3A_256 to %scan3A_258 step %scan3A_259 iter_args(%scan3A_334 = %get3A_193, %scan3A_335 = %get3A_195, %scan3A_336 = %get3A_197, %scan3A_337 = %get3A_199, %scan3A_338 = %get3A_201, %scan3A_339 = %get3A_203, %scan3A_340 = %get3A_205, %scan3A_341 = %get3A_207, %scan3A_342 = %get3A_209, %scan3A_343 = %get3A_211, %scan3A_344 = %get3A_213, %scan3A_345 = %get3A_215, %scan3A_346 = %get3A_217, %scan3A_347 = %get3A_219, %scan3A_348 = %get3A_221, %scan3A_349 = %get3A_223, %scan3A_350 = %get3A_225, %scan3A_351 = %get3A_227, %scan3A_352 = %get3A_229, %scan3A_353 = %get3A_231, %scan3A_354 = %get3A_233, %scan3A_355 = %get3A_235, %scan3A_356 = %get3A_237, %scan3A_357 = %get3A_239, %scan3A_358 = %get3A_241, %scan3A_359 = %get3A_243, %scan3A_360 = %get3A_245, %scan3A_361 = %get3A_247, %scan3A_362 = %get3A_249, %scan3A_363 = %get3A_251, %scan3A_364 = %get3A_253, %scan3A_365 = %get3A_255) -> (vector<16xf32>, vector<16xf32>, vector<16xf32>, vector<16xf32>, vector<16xf32>, vector<16xf32>, vector<16xf32>, vector<16xf32>, vector<16xf32>, vector<16xf32>, vector<16xf32>, vector<16xf32>, vector<16xf32>, vector<16xf32>, vector<16xf32>, vector<16xf32>, vector<16xf32>, vector<16xf32>, vector<16xf32>, vector<16xf32>, vector<16xf32>, vector<16xf32>, vector<16xf32>, vector<16xf32>, vector<16xf32>, vector<16xf32>, vector<16xf32>, vector<16xf32>, vector<16xf32>, vector<16xf32>, vector<16xf32>, vector<16xf32>)  : i32 {
        %mul3A_366 = arith.constant 16 : i32
        %mul3A_367 = arith.muli %scan3A_333, %mul3A_366 : i32
        %get3A_368 = arith.index_cast %mul3A_367 : i32 to index
        %get3A_369 = tpu.vector_load %arg8[%get3A_368] {strides = array<i32>} : memref<1024xf32, #tpu.memory_space<vmem>>, vector<16xf32>,
        %get3A_370 = arith.index_cast %scan3A_333 : i32 to index
        %get3A_371 = arith.constant 0 : index
        %get3A_372 = tpu.vector_load %arg7[%get3A_370, %get3A_371] {strides = array<i32>} : memref<64x512xf32, #tpu.memory_space<vmem>>, vector<16xf32>,
        %mul3A_373 = arith.mulf %get3A_372, %get3A_369 : vector<16xf32>
        %add3A_374 = arith.addf %scan3A_334, %mul3A_373 : vector<16xf32>
        %get3A_375 = arith.index_cast %scan3A_333 : i32 to index
        %get3A_376 = arith.constant 16 : index
        %get3A_377 = tpu.vector_load %arg7[%get3A_375, %get3A_376] {strides = array<i32>} : memref<64x512xf32, #tpu.memory_space<vmem>>, vector<16xf32>,
        %mul3A_378 = arith.mulf %get3A_377, %get3A_369 : vector<16xf32>
        %add3A_379 = arith.addf %scan3A_335, %mul3A_378 : vector<16xf32>
        %get3A_380 = arith.index_cast %scan3A_333 : i32 to index
        %get3A_381 = arith.constant 32 : index
        %get3A_382 = tpu.vector_load %arg7[%get3A_380, %get3A_381] {strides = array<i32>} : memref<64x512xf32, #tpu.memory_space<vmem>>, vector<16xf32>,
        %mul3A_383 = arith.mulf %get3A_382, %get3A_369 : vector<16xf32>
        %add3A_384 = arith.addf %scan3A_336, %mul3A_383 : vector<16xf32>
        %get3A_385 = arith.index_cast %scan3A_333 : i32 to index
        %get3A_386 = arith.constant 48 : index
        %get3A_387 = tpu.vector_load %arg7[%get3A_385, %get3A_386] {strides = array<i32>} : memref<64x512xf32, #tpu.memory_space<vmem>>, vector<16xf32>,
        %mul3A_388 = arith.mulf %get3A_387, %get3A_369 : vector<16xf32>
        %add3A_389 = arith.addf %scan3A_337, %mul3A_388 : vector<16xf32>
        %get3A_390 = arith.index_cast %scan3A_333 : i32 to index
        %get3A_391 = arith.constant 64 : index
        %get3A_392 = tpu.vector_load %arg7[%get3A_390, %get3A_391] {strides = array<i32>} : memref<64x512xf32, #tpu.memory_space<vmem>>, vector<16xf32>,
        %mul3A_393 = arith.mulf %get3A_392, %get3A_369 : vector<16xf32>
        %add3A_394 = arith.addf %scan3A_338, %mul3A_393 : vector<16xf32>
        %get3A_395 = arith.index_cast %scan3A_333 : i32 to index
        %get3A_396 = arith.constant 80 : index
        %get3A_397 = tpu.vector_load %arg7[%get3A_395, %get3A_396] {strides = array<i32>} : memref<64x512xf32, #tpu.memory_space<vmem>>, vector<16xf32>,
        %mul3A_398 = arith.mulf %get3A_397, %get3A_369 : vector<16xf32>
        %add3A_399 = arith.addf %scan3A_339, %mul3A_398 : vector<16xf32>
        %get3A_400 = arith.index_cast %scan3A_333 : i32 to index
        %get3A_401 = arith.constant 96 : index
        %get3A_402 = tpu.vector_load %arg7[%get3A_400, %get3A_401] {strides = array<i32>} : memref<64x512xf32, #tpu.memory_space<vmem>>, vector<16xf32>,
        %mul3A_403 = arith.mulf %get3A_402, %get3A_369 : vector<16xf32>
        %add3A_404 = arith.addf %scan3A_340, %mul3A_403 : vector<16xf32>
        %get3A_405 = arith.index_cast %scan3A_333 : i32 to index
        %get3A_406 = arith.constant 112 : index
        %get3A_407 = tpu.vector_load %arg7[%get3A_405, %get3A_406] {strides = array<i32>} : memref<64x512xf32, #tpu.memory_space<vmem>>, vector<16xf32>,
        %mul3A_408 = arith.mulf %get3A_407, %get3A_369 : vector<16xf32>
        %add3A_409 = arith.addf %scan3A_341, %mul3A_408 : vector<16xf32>
        %get3A_410 = arith.index_cast %scan3A_333 : i32 to index
        %get3A_411 = arith.constant 128 : index
        %get3A_412 = tpu.vector_load %arg7[%get3A_410, %get3A_411] {strides = array<i32>} : memref<64x512xf32, #tpu.memory_space<vmem>>, vector<16xf32>,
        %mul3A_413 = arith.mulf %get3A_412, %get3A_369 : vector<16xf32>
        %add3A_414 = arith.addf %scan3A_342, %mul3A_413 : vector<16xf32>
        %get3A_415 = arith.index_cast %scan3A_333 : i32 to index
        %get3A_416 = arith.constant 144 : index
        %get3A_417 = tpu.vector_load %arg7[%get3A_415, %get3A_416] {strides = array<i32>} : memref<64x512xf32, #tpu.memory_space<vmem>>, vector<16xf32>,
        %mul3A_418 = arith.mulf %get3A_417, %get3A_369 : vector<16xf32>
        %add3A_419 = arith.addf %scan3A_343, %mul3A_418 : vector<16xf32>
        %get3A_420 = arith.index_cast %scan3A_333 : i32 to index
        %get3A_421 = arith.constant 160 : index
        %get3A_422 = tpu.vector_load %arg7[%get3A_420, %get3A_421] {strides = array<i32>} : memref<64x512xf32, #tpu.memory_space<vmem>>, vector<16xf32>,
        %mul3A_423 = arith.mulf %get3A_422, %get3A_369 : vector<16xf32>
        %add3A_424 = arith.addf %scan3A_344, %mul3A_423 : vector<16xf32>
        %get3A_425 = arith.index_cast %scan3A_333 : i32 to index
        %get3A_426 = arith.constant 176 : index
        %get3A_427 = tpu.vector_load %arg7[%get3A_425, %get3A_426] {strides = array<i32>} : memref<64x512xf32, #tpu.memory_space<vmem>>, vector<16xf32>,
        %mul3A_428 = arith.mulf %get3A_427, %get3A_369 : vector<16xf32>
        %add3A_429 = arith.addf %scan3A_345, %mul3A_428 : vector<16xf32>
        %get3A_430 = arith.index_cast %scan3A_333 : i32 to index
        %get3A_431 = arith.constant 192 : index
        %get3A_432 = tpu.vector_load %arg7[%get3A_430, %get3A_431] {strides = array<i32>} : memref<64x512xf32, #tpu.memory_space<vmem>>, vector<16xf32>,
        %mul3A_433 = arith.mulf %get3A_432, %get3A_369 : vector<16xf32>
        %add3A_434 = arith.addf %scan3A_346, %mul3A_433 : vector<16xf32>
        %get3A_435 = arith.index_cast %scan3A_333 : i32 to index
        %get3A_436 = arith.constant 208 : index
        %get3A_437 = tpu.vector_load %arg7[%get3A_435, %get3A_436] {strides = array<i32>} : memref<64x512xf32, #tpu.memory_space<vmem>>, vector<16xf32>,
        %mul3A_438 = arith.mulf %get3A_437, %get3A_369 : vector<16xf32>
        %add3A_439 = arith.addf %scan3A_347, %mul3A_438 : vector<16xf32>
        %get3A_440 = arith.index_cast %scan3A_333 : i32 to index
        %get3A_441 = arith.constant 224 : index
        %get3A_442 = tpu.vector_load %arg7[%get3A_440, %get3A_441] {strides = array<i32>} : memref<64x512xf32, #tpu.memory_space<vmem>>, vector<16xf32>,
        %mul3A_443 = arith.mulf %get3A_442, %get3A_369 : vector<16xf32>
        %add3A_444 = arith.addf %scan3A_348, %mul3A_443 : vector<16xf32>
        %get3A_445 = arith.index_cast %scan3A_333 : i32 to index
        %get3A_446 = arith.constant 240 : index
        %get3A_447 = tpu.vector_load %arg7[%get3A_445, %get3A_446] {strides = array<i32>} : memref<64x512xf32, #tpu.memory_space<vmem>>, vector<16xf32>,
        %mul3A_448 = arith.mulf %get3A_447, %get3A_369 : vector<16xf32>
        %add3A_449 = arith.addf %scan3A_349, %mul3A_448 : vector<16xf32>
        %get3A_450 = arith.index_cast %scan3A_333 : i32 to index
        %get3A_451 = arith.constant 256 : index
        %get3A_452 = tpu.vector_load %arg7[%get3A_450, %get3A_451] {strides = array<i32>} : memref<64x512xf32, #tpu.memory_space<vmem>>, vector<16xf32>,
        %mul3A_453 = arith.mulf %get3A_452, %get3A_369 : vector<16xf32>
        %add3A_454 = arith.addf %scan3A_350, %mul3A_453 : vector<16xf32>
        %get3A_455 = arith.index_cast %scan3A_333 : i32 to index
        %get3A_456 = arith.constant 272 : index
        %get3A_457 = tpu.vector_load %arg7[%get3A_455, %get3A_456] {strides = array<i32>} : memref<64x512xf32, #tpu.memory_space<vmem>>, vector<16xf32>,
        %mul3A_458 = arith.mulf %get3A_457, %get3A_369 : vector<16xf32>
        %add3A_459 = arith.addf %scan3A_351, %mul3A_458 : vector<16xf32>
        %get3A_460 = arith.index_cast %scan3A_333 : i32 to index
        %get3A_461 = arith.constant 288 : index
        %get3A_462 = tpu.vector_load %arg7[%get3A_460, %get3A_461] {strides = array<i32>} : memref<64x512xf32, #tpu.memory_space<vmem>>, vector<16xf32>,
        %mul3A_463 = arith.mulf %get3A_462, %get3A_369 : vector<16xf32>
        %add3A_464 = arith.addf %scan3A_352, %mul3A_463 : vector<16xf32>
        %get3A_465 = arith.index_cast %scan3A_333 : i32 to index
        %get3A_466 = arith.constant 304 : index
        %get3A_467 = tpu.vector_load %arg7[%get3A_465, %get3A_466] {strides = array<i32>} : memref<64x512xf32, #tpu.memory_space<vmem>>, vector<16xf32>,
        %mul3A_468 = arith.mulf %get3A_467, %get3A_369 : vector<16xf32>
        %add3A_469 = arith.addf %scan3A_353, %mul3A_468 : vector<16xf32>
        %get3A_470 = arith.index_cast %scan3A_333 : i32 to index
        %get3A_471 = arith.constant 320 : index
        %get3A_472 = tpu.vector_load %arg7[%get3A_470, %get3A_471] {strides = array<i32>} : memref<64x512xf32, #tpu.memory_space<vmem>>, vector<16xf32>,
        %mul3A_473 = arith.mulf %get3A_472, %get3A_369 : vector<16xf32>
        %add3A_474 = arith.addf %scan3A_354, %mul3A_473 : vector<16xf32>
        %get3A_475 = arith.index_cast %scan3A_333 : i32 to index
        %get3A_476 = arith.constant 336 : index
        %get3A_477 = tpu.vector_load %arg7[%get3A_475, %get3A_476] {strides = array<i32>} : memref<64x512xf32, #tpu.memory_space<vmem>>, vector<16xf32>,
        %mul3A_478 = arith.mulf %get3A_477, %get3A_369 : vector<16xf32>
        %add3A_479 = arith.addf %scan3A_355, %mul3A_478 : vector<16xf32>
        %get3A_480 = arith.index_cast %scan3A_333 : i32 to index
        %get3A_481 = arith.constant 352 : index
        %get3A_482 = tpu.vector_load %arg7[%get3A_480, %get3A_481] {strides = array<i32>} : memref<64x512xf32, #tpu.memory_space<vmem>>, vector<16xf32>,
        %mul3A_483 = arith.mulf %get3A_482, %get3A_369 : vector<16xf32>
        %add3A_484 = arith.addf %scan3A_356, %mul3A_483 : vector<16xf32>
        %get3A_485 = arith.index_cast %scan3A_333 : i32 to index
        %get3A_486 = arith.constant 368 : index
        %get3A_487 = tpu.vector_load %arg7[%get3A_485, %get3A_486] {strides = array<i32>} : memref<64x512xf32, #tpu.memory_space<vmem>>, vector<16xf32>,
        %mul3A_488 = arith.mulf %get3A_487, %get3A_369 : vector<16xf32>
        %add3A_489 = arith.addf %scan3A_357, %mul3A_488 : vector<16xf32>
        %get3A_490 = arith.index_cast %scan3A_333 : i32 to index
        %get3A_491 = arith.constant 384 : index
        %get3A_492 = tpu.vector_load %arg7[%get3A_490, %get3A_491] {strides = array<i32>} : memref<64x512xf32, #tpu.memory_space<vmem>>, vector<16xf32>,
        %mul3A_493 = arith.mulf %get3A_492, %get3A_369 : vector<16xf32>
        %add3A_494 = arith.addf %scan3A_358, %mul3A_493 : vector<16xf32>
        %get3A_495 = arith.index_cast %scan3A_333 : i32 to index
        %get3A_496 = arith.constant 400 : index
        %get3A_497 = tpu.vector_load %arg7[%get3A_495, %get3A_496] {strides = array<i32>} : memref<64x512xf32, #tpu.memory_space<vmem>>, vector<16xf32>,
        %mul3A_498 = arith.mulf %get3A_497, %get3A_369 : vector<16xf32>
        %add3A_499 = arith.addf %scan3A_359, %mul3A_498 : vector<16xf32>
        %get3A_500 = arith.index_cast %scan3A_333 : i32 to index
        %get3A_501 = arith.constant 416 : index
        %get3A_502 = tpu.vector_load %arg7[%get3A_500, %get3A_501] {strides = array<i32>} : memref<64x512xf32, #tpu.memory_space<vmem>>, vector<16xf32>,
        %mul3A_503 = arith.mulf %get3A_502, %get3A_369 : vector<16xf32>
        %add3A_504 = arith.addf %scan3A_360, %mul3A_503 : vector<16xf32>
        %get3A_505 = arith.index_cast %scan3A_333 : i32 to index
        %get3A_506 = arith.constant 432 : index
        %get3A_507 = tpu.vector_load %arg7[%get3A_505, %get3A_506] {strides = array<i32>} : memref<64x512xf32, #tpu.memory_space<vmem>>, vector<16xf32>,
        %mul3A_508 = arith.mulf %get3A_507, %get3A_369 : vector<16xf32>
        %add3A_509 = arith.addf %scan3A_361, %mul3A_508 : vector<16xf32>
        %get3A_510 = arith.index_cast %scan3A_333 : i32 to index
        %get3A_511 = arith.constant 448 : index
        %get3A_512 = tpu.vector_load %arg7[%get3A_510, %get3A_511] {strides = array<i32>} : memref<64x512xf32, #tpu.memory_space<vmem>>, vector<16xf32>,
        %mul3A_513 = arith.mulf %get3A_512, %get3A_369 : vector<16xf32>
        %add3A_514 = arith.addf %scan3A_362, %mul3A_513 : vector<16xf32>
        %get3A_515 = arith.index_cast %scan3A_333 : i32 to index
        %get3A_516 = arith.constant 464 : index
        %get3A_517 = tpu.vector_load %arg7[%get3A_515, %get3A_516] {strides = array<i32>} : memref<64x512xf32, #tpu.memory_space<vmem>>, vector<16xf32>,
        %mul3A_518 = arith.mulf %get3A_517, %get3A_369 : vector<16xf32>
        %add3A_519 = arith.addf %scan3A_363, %mul3A_518 : vector<16xf32>
        %get3A_520 = arith.index_cast %scan3A_333 : i32 to index
        %get3A_521 = arith.constant 480 : index
        %get3A_522 = tpu.vector_load %arg7[%get3A_520, %get3A_521] {strides = array<i32>} : memref<64x512xf32, #tpu.memory_space<vmem>>, vector<16xf32>,
        %mul3A_523 = arith.mulf %get3A_522, %get3A_369 : vector<16xf32>
        %add3A_524 = arith.addf %scan3A_364, %mul3A_523 : vector<16xf32>
        %get3A_525 = arith.index_cast %scan3A_333 : i32 to index
        %get3A_526 = arith.constant 496 : index
        %get3A_527 = tpu.vector_load %arg7[%get3A_525, %get3A_526] {strides = array<i32>} : memref<64x512xf32, #tpu.memory_space<vmem>>, vector<16xf32>,
        %mul3A_528 = arith.mulf %get3A_527, %get3A_369 : vector<16xf32>
        %add3A_529 = arith.addf %scan3A_365, %mul3A_528 : vector<16xf32>
        scf.yield %add3A_374, %add3A_379, %add3A_384, %add3A_389, %add3A_394, %add3A_399, %add3A_404, %add3A_409, %add3A_414, %add3A_419, %add3A_424, %add3A_429, %add3A_434, %add3A_439, %add3A_444, %add3A_449, %add3A_454, %add3A_459, %add3A_464, %add3A_469, %add3A_474, %add3A_479, %add3A_484, %add3A_489, %add3A_494, %add3A_499, %add3A_504, %add3A_509, %add3A_514, %add3A_519, %add3A_524, %add3A_529 : vector<16xf32>, vector<16xf32>, vector<16xf32>, vector<16xf32>, vector<16xf32>, vector<16xf32>, vector<16xf32>, vector<16xf32>, vector<16xf32>, vector<16xf32>, vector<16xf32>, vector<16xf32>, vector<16xf32>, vector<16xf32>, vector<16xf32>, vector<16xf32>, vector<16xf32>, vector<16xf32>, vector<16xf32>, vector<16xf32>, vector<16xf32>, vector<16xf32>, vector<16xf32>, vector<16xf32>, vector<16xf32>, vector<16xf32>, vector<16xf32>, vector<16xf32>, vector<16xf32>, vector<16xf32>, vector<16xf32>, vector<16xf32>
      }
      %scan3A_261 = arith.constant 64 : i32
      %swap3A_262 = arith.constant 0 : index
      %swap3A_263 = tpu.vector_load %arg11[%swap3A_262] {strides = array<i32>} : memref<512xf32, #tpu.memory_space<vmem>>, vector<16xf32>,
      tpu.vector_store %arg11[%swap3A_262], %scan3A_260#0 {strides = array<i32>} : memref<512xf32, #tpu.memory_space<vmem>>, vector<16xf32>,
      %swap3A_264 = arith.constant 16 : index
      %swap3A_265 = tpu.vector_load %arg11[%swap3A_264] {strides = array<i32>} : memref<512xf32, #tpu.memory_space<vmem>>, vector<16xf32>,
      tpu.vector_store %arg11[%swap3A_264], %scan3A_260#1 {strides = array<i32>} : memref<512xf32, #tpu.memory_space<vmem>>, vector<16xf32>,
      %swap3A_266 = arith.constant 32 : index
      %swap3A_267 = tpu.vector_load %arg11[%swap3A_266] {strides = array<i32>} : memref<512xf32, #tpu.memory_space<vmem>>, vector<16xf32>,
      tpu.vector_store %arg11[%swap3A_266], %scan3A_260#2 {strides = array<i32>} : memref<512xf32, #tpu.memory_space<vmem>>, vector<16xf32>,
      %swap3A_268 = arith.constant 48 : index
      %swap3A_269 = tpu.vector_load %arg11[%swap3A_268] {strides = array<i32>} : memref<512xf32, #tpu.memory_space<vmem>>, vector<16xf32>,
      tpu.vector_store %arg11[%swap3A_268], %scan3A_260#3 {strides = array<i32>} : memref<512xf32, #tpu.memory_space<vmem>>, vector<16xf32>,
      %swap3A_270 = arith.constant 64 : index
      %swap3A_271 = tpu.vector_load %arg11[%swap3A_270] {strides = array<i32>} : memref<512xf32, #tpu.memory_space<vmem>>, vector<16xf32>,
      tpu.vector_store %arg11[%swap3A_270], %scan3A_260#4 {strides = array<i32>} : memref<512xf32, #tpu.memory_space<vmem>>, vector<16xf32>,
      %swap3A_272 = arith.constant 80 : index
      %swap3A_273 = tpu.vector_load %arg11[%swap3A_272] {strides = array<i32>} : memref<512xf32, #tpu.memory_space<vmem>>, vector<16xf32>,
      tpu.vector_store %arg11[%swap3A_272], %scan3A_260#5 {strides = array<i32>} : memref<512xf32, #tpu.memory_space<vmem>>, vector<16xf32>,
      %swap3A_274 = arith.constant 96 : index
      %swap3A_275 = tpu.vector_load %arg11[%swap3A_274] {strides = array<i32>} : memref<512xf32, #tpu.memory_space<vmem>>, vector<16xf32>,
      tpu.vector_store %arg11[%swap3A_274], %scan3A_260#6 {strides = array<i32>} : memref<512xf32, #tpu.memory_space<vmem>>, vector<16xf32>,
      %swap3A_276 = arith.constant 112 : index
      %swap3A_277 = tpu.vector_load %arg11[%swap3A_276] {strides = array<i32>} : memref<512xf32, #tpu.memory_space<vmem>>, vector<16xf32>,
      tpu.vector_store %arg11[%swap3A_276], %scan3A_260#7 {strides = array<i32>} : memref<512xf32, #tpu.memory_space<vmem>>, vector<16xf32>,
      %swap3A_278 = arith.constant 128 : index
      %swap3A_279 = tpu.vector_load %arg11[%swap3A_278] {strides = array<i32>} : memref<512xf32, #tpu.memory_space<vmem>>, vector<16xf32>,
      tpu.vector_store %arg11[%swap3A_278], %scan3A_260#8 {strides = array<i32>} : memref<512xf32, #tpu.memory_space<vmem>>, vector<16xf32>,
      %swap3A_280 = arith.constant 144 : index
      %swap3A_281 = tpu.vector_load %arg11[%swap3A_280] {strides = array<i32>} : memref<512xf32, #tpu.memory_space<vmem>>, vector<16xf32>,
      tpu.vector_store %arg11[%swap3A_280], %scan3A_260#9 {strides = array<i32>} : memref<512xf32, #tpu.memory_space<vmem>>, vector<16xf32>,
      %swap3A_282 = arith.constant 160 : index
      %swap3A_283 = tpu.vector_load %arg11[%swap3A_282] {strides = array<i32>} : memref<512xf32, #tpu.memory_space<vmem>>, vector<16xf32>,
      tpu.vector_store %arg11[%swap3A_282], %scan3A_260#10 {strides = array<i32>} : memref<512xf32, #tpu.memory_space<vmem>>, vector<16xf32>,
      %swap3A_284 = arith.constant 176 : index
      %swap3A_285 = tpu.vector_load %arg11[%swap3A_284] {strides = array<i32>} : memref<512xf32, #tpu.memory_space<vmem>>, vector<16xf32>,
      tpu.vector_store %arg11[%swap3A_284], %scan3A_260#11 {strides = array<i32>} : memref<512xf32, #tpu.memory_space<vmem>>, vector<16xf32>,
      %swap3A_286 = arith.constant 192 : index
      %swap3A_287 = tpu.vector_load %arg11[%swap3A_286] {strides = array<i32>} : memref<512xf32, #tpu.memory_space<vmem>>, vector<16xf32>,
      tpu.vector_store %arg11[%swap3A_286], %scan3A_260#12 {strides = array<i32>} : memref<512xf32, #tpu.memory_space<vmem>>, vector<16xf32>,
      %swap3A_288 = arith.constant 208 : index
      %swap3A_289 = tpu.vector_load %arg11[%swap3A_288] {strides = array<i32>} : memref<512xf32, #tpu.memory_space<vmem>>, vector<16xf32>,
      tpu.vector_store %arg11[%swap3A_288], %scan3A_260#13 {strides = array<i32>} : memref<512xf32, #tpu.memory_space<vmem>>, vector<16xf32>,
      %swap3A_290 = arith.constant 224 : index
      %swap3A_291 = tpu.vector_load %arg11[%swap3A_290] {strides = array<i32>} : memref<512xf32, #tpu.memory_space<vmem>>, vector<16xf32>,
      tpu.vector_store %arg11[%swap3A_290], %scan3A_260#14 {strides = array<i32>} : memref<512xf32, #tpu.memory_space<vmem>>, vector<16xf32>,
      %swap3A_292 = arith.constant 240 : index
      %swap3A_293 = tpu.vector_load %arg11[%swap3A_292] {strides = array<i32>} : memref<512xf32, #tpu.memory_space<vmem>>, vector<16xf32>,
      tpu.vector_store %arg11[%swap3A_292], %scan3A_260#15 {strides = array<i32>} : memref<512xf32, #tpu.memory_space<vmem>>, vector<16xf32>,
      %swap3A_294 = arith.constant 256 : index
      %swap3A_295 = tpu.vector_load %arg11[%swap3A_294] {strides = array<i32>} : memref<512xf32, #tpu.memory_space<vmem>>, vector<16xf32>,
      tpu.vector_store %arg11[%swap3A_294], %scan3A_260#16 {strides = array<i32>} : memref<512xf32, #tpu.memory_space<vmem>>, vector<16xf32>,
      %swap3A_296 = arith.constant 272 : index
      %swap3A_297 = tpu.vector_load %arg11[%swap3A_296] {strides = array<i32>} : memref<512xf32, #tpu.memory_space<vmem>>, vector<16xf32>,
      tpu.vector_store %arg11[%swap3A_296], %scan3A_260#17 {strides = array<i32>} : memref<512xf32, #tpu.memory_space<vmem>>, vector<16xf32>,
      %swap3A_298 = arith.constant 288 : index
      %swap3A_299 = tpu.vector_load %arg11[%swap3A_298] {strides = array<i32>} : memref<512xf32, #tpu.memory_space<vmem>>, vector<16xf32>,
      tpu.vector_store %arg11[%swap3A_298], %scan3A_260#18 {strides = array<i32>} : memref<512xf32, #tpu.memory_space<vmem>>, vector<16xf32>,
      %swap3A_300 = arith.constant 304 : index
      %swap3A_301 = tpu.vector_load %arg11[%swap3A_300] {strides = array<i32>} : memref<512xf32, #tpu.memory_space<vmem>>, vector<16xf32>,
      tpu.vector_store %arg11[%swap3A_300], %scan3A_260#19 {strides = array<i32>} : memref<512xf32, #tpu.memory_space<vmem>>, vector<16xf32>,
      %swap3A_302 = arith.constant 320 : index
      %swap3A_303 = tpu.vector_load %arg11[%swap3A_302] {strides = array<i32>} : memref<512xf32, #tpu.memory_space<vmem>>, vector<16xf32>,
      tpu.vector_store %arg11[%swap3A_302], %scan3A_260#20 {strides = array<i32>} : memref<512xf32, #tpu.memory_space<vmem>>, vector<16xf32>,
      %swap3A_304 = arith.constant 336 : index
      %swap3A_305 = tpu.vector_load %arg11[%swap3A_304] {strides = array<i32>} : memref<512xf32, #tpu.memory_space<vmem>>, vector<16xf32>,
      tpu.vector_store %arg11[%swap3A_304], %scan3A_260#21 {strides = array<i32>} : memref<512xf32, #tpu.memory_space<vmem>>, vector<16xf32>,
      %swap3A_306 = arith.constant 352 : index
      %swap3A_307 = tpu.vector_load %arg11[%swap3A_306] {strides = array<i32>} : memref<512xf32, #tpu.memory_space<vmem>>, vector<16xf32>,
      tpu.vector_store %arg11[%swap3A_306], %scan3A_260#22 {strides = array<i32>} : memref<512xf32, #tpu.memory_space<vmem>>, vector<16xf32>,
      %swap3A_308 = arith.constant 368 : index
      %swap3A_309 = tpu.vector_load %arg11[%swap3A_308] {strides = array<i32>} : memref<512xf32, #tpu.memory_space<vmem>>, vector<16xf32>,
      tpu.vector_store %arg11[%swap3A_308], %scan3A_260#23 {strides = array<i32>} : memref<512xf32, #tpu.memory_space<vmem>>, vector<16xf32>,
      %swap3A_310 = arith.constant 384 : index
      %swap3A_311 = tpu.vector_load %arg11[%swap3A_310] {strides = array<i32>} : memref<512xf32, #tpu.memory_space<vmem>>, vector<16xf32>,
      tpu.vector_store %arg11[%swap3A_310], %scan3A_260#24 {strides = array<i32>} : memref<512xf32, #tpu.memory_space<vmem>>, vector<16xf32>,
      %swap3A_312 = arith.constant 400 : index
      %swap3A_313 = tpu.vector_load %arg11[%swap3A_312] {strides = array<i32>} : memref<512xf32, #tpu.memory_space<vmem>>, vector<16xf32>,
      tpu.vector_store %arg11[%swap3A_312], %scan3A_260#25 {strides = array<i32>} : memref<512xf32, #tpu.memory_space<vmem>>, vector<16xf32>,
      %swap3A_314 = arith.constant 416 : index
      %swap3A_315 = tpu.vector_load %arg11[%swap3A_314] {strides = array<i32>} : memref<512xf32, #tpu.memory_space<vmem>>, vector<16xf32>,
      tpu.vector_store %arg11[%swap3A_314], %scan3A_260#26 {strides = array<i32>} : memref<512xf32, #tpu.memory_space<vmem>>, vector<16xf32>,
      %swap3A_316 = arith.constant 432 : index
      %swap3A_317 = tpu.vector_load %arg11[%swap3A_316] {strides = array<i32>} : memref<512xf32, #tpu.memory_space<vmem>>, vector<16xf32>,
      tpu.vector_store %arg11[%swap3A_316], %scan3A_260#27 {strides = array<i32>} : memref<512xf32, #tpu.memory_space<vmem>>, vector<16xf32>,
      %swap3A_318 = arith.constant 448 : index
      %swap3A_319 = tpu.vector_load %arg11[%swap3A_318] {strides = array<i32>} : memref<512xf32, #tpu.memory_space<vmem>>, vector<16xf32>,
      tpu.vector_store %arg11[%swap3A_318], %scan3A_260#28 {strides = array<i32>} : memref<512xf32, #tpu.memory_space<vmem>>, vector<16xf32>,
      %swap3A_320 = arith.constant 464 : index
      %swap3A_321 = tpu.vector_load %arg11[%swap3A_320] {strides = array<i32>} : memref<512xf32, #tpu.memory_space<vmem>>, vector<16xf32>,
      tpu.vector_store %arg11[%swap3A_320], %scan3A_260#29 {strides = array<i32>} : memref<512xf32, #tpu.memory_space<vmem>>, vector<16xf32>,
      %swap3A_322 = arith.constant 480 : index
      %swap3A_323 = tpu.vector_load %arg11[%swap3A_322] {strides = array<i32>} : memref<512xf32, #tpu.memory_space<vmem>>, vector<16xf32>,
      tpu.vector_store %arg11[%swap3A_322], %scan3A_260#30 {strides = array<i32>} : memref<512xf32, #tpu.memory_space<vmem>>, vector<16xf32>,
      %swap3A_324 = arith.constant 496 : index
      %swap3A_325 = tpu.vector_load %arg11[%swap3A_324] {strides = array<i32>} : memref<512xf32, #tpu.memory_space<vmem>>, vector<16xf32>,
      tpu.vector_store %arg11[%swap3A_324], %scan3A_260#31 {strides = array<i32>} : memref<512xf32, #tpu.memory_space<vmem>>, vector<16xf32>,
      %add3A_326 = arith.constant 1 : i32
      %add3A_327 = arith.addi %mul3A_20, %add3A_326 : i32
      %mul3A_328 = arith.constant 512 : i32
      %mul3A_329 = arith.muli %add3A_327, %mul3A_328 : i32
      %add3A_330 = arith.addi %mul3A_2, %mul3A_329 : i32
      %dma_start3A_331 = tpu.memref_slice %arg5[%add3A_330] : memref<622592xf32, #tpu.memory_space<hbm>> -> memref<512xf32, #tpu.memory_space<hbm>>
      %dma_start3A_332 = tpu.memref_slice %arg5[%add3A_330] : memref<622592xf32, #tpu.memory_space<hbm>> -> memref<512xf32, #tpu.memory_space<hbm>>
      tpu.enqueue_dma source(%arg11 : memref<512xf32, #tpu.memory_space<vmem>>) target(%dma_start3A_332 : memref<512xf32, #tpu.memory_space<hbm>>) target_semaphore(%arg15 : memref<!tpu.dma_semaphore, #tpu.memory_space<semaphore_mem>>)
    }
    %scan3A_10 = arith.constant 19 : i32
    %dma_wait3A = arith.constant 0 : i32
    %dma_wait3A_11 = tpu.memref_slice %arg5[%dma_wait3A] : memref<622592xf32, #tpu.memory_space<hbm>> -> memref<512xf32, #tpu.memory_space<hbm>>
    %dma_wait3A_12 = arith.constant 0 : i32
    %dma_wait3A_13 = tpu.memref_slice %arg5[%dma_wait3A_12] : memref<622592xf32, #tpu.memory_space<hbm>> -> memref<512xf32, #tpu.memory_space<hbm>>
    tpu.wait_dma2 semaphore(%arg14 : memref<!tpu.dma_semaphore, #tpu.memory_space<semaphore_mem>>) src(%arg10 : memref<512xf32, #tpu.memory_space<vmem>>) dst(%dma_wait3A_13 : memref<512xf32, #tpu.memory_space<hbm>>)
    %dma_wait3A_14 = arith.constant 0 : i32
    %dma_wait3A_15 = tpu.memref_slice %arg5[%dma_wait3A_14] : memref<622592xf32, #tpu.memory_space<hbm>> -> memref<512xf32, #tpu.memory_space<hbm>>
    %dma_wait3A_16 = arith.constant 0 : i32
    %dma_wait3A_17 = tpu.memref_slice %arg5[%dma_wait3A_16] : memref<622592xf32, #tpu.memory_space<hbm>> -> memref<512xf32, #tpu.memory_space<hbm>>
    tpu.wait_dma2 semaphore(%arg15 : memref<!tpu.dma_semaphore, #tpu.memory_space<semaphore_mem>>) src(%arg11 : memref<512xf32, #tpu.memory_space<vmem>>) dst(%dma_wait3A_17 : memref<512xf32, #tpu.memory_space<hbm>>)
    return
  }
}

#map = affine_map<(d0, d1) -> (0)>
module attributes {stable_mosaic.version = 14 : i64} {
  func.func @_gather_body(%arg0: i32, %arg1: i32, %arg2: memref<1000000xf32, #tpu.memory_space<hbm>>, %arg3: memref<16384xi32, #tpu.memory_space<hbm>>, %arg4: memref<16384xf32, #tpu.memory_space<hbm>>, %arg5: memref<4x128xi32, #tpu.memory_space<vmem>>, %arg6: memref<512xf32, #tpu.memory_space<vmem>>, %arg7: memref<!tpu.dma_semaphore, #tpu.memory_space<semaphore_mem>>) attributes {dimension_semantics = [#tpu.dimension_semantics<core_parallel>, #tpu.dimension_semantics<subcore_parallel>], iteration_bounds = array<i64: 2, 16>, scalar_prefetch = 0 : i64, scratch_operands = 3 : i64, tpu.core_type = #tpu.core_type<sc_vector_subcore>, window_params = [{transform_indices = #map}, {transform_indices = #map}, {transform_indices = #map}]} {
    %mul3A = arith.constant 2 : i32
    %mul3A_0 = arith.muli %arg1, %mul3A : i32
    %add3A = arith.addi %mul3A_0, %arg0 : i32
    %mul3A_1 = arith.constant 512 : i32
    %mul3A_2 = arith.muli %add3A, %mul3A_1 : i32
    %add3A_3 = arith.constant 0 : i32
    %add3A_4 = arith.addi %mul3A_2, %add3A_3 : i32
    %run_scoped3A = arith.constant 0 : i32
    "tpu.region"() ({
      %run_scoped3A_76 = tpu.sem_alloc : memref<!tpu.dma_semaphore, #tpu.memory_space<semaphore_mem>>
      %dma_start3A_77 = arith.constant 0 : i32
      %dma_start3A_78 = tpu.memref_slice %arg5[%run_scoped3A, %dma_start3A_77] : memref<4x128xi32, #tpu.memory_space<vmem>> -> memref<1x128xi32, #tpu.memory_space<vmem>>
      %dma_start3A_79 = tpu.memref_squeeze %dma_start3A_78 : memref<1x128xi32, #tpu.memory_space<vmem>> -> memref<128xi32, #tpu.memory_space<vmem>>
      %dma_start3A_80 = tpu.memref_slice %arg3[%add3A_4] : memref<16384xi32, #tpu.memory_space<hbm>> -> memref<128xi32, #tpu.memory_space<hbm>>
      %dma_start3A_81 = arith.constant 0 : i32
      %dma_start3A_82 = tpu.memref_slice %arg5[%run_scoped3A, %dma_start3A_81] : memref<4x128xi32, #tpu.memory_space<vmem>> -> memref<1x128xi32, #tpu.memory_space<vmem>>
      %dma_start3A_83 = tpu.memref_squeeze %dma_start3A_82 : memref<1x128xi32, #tpu.memory_space<vmem>> -> memref<128xi32, #tpu.memory_space<vmem>>
      %dma_start3A_84 = tpu.memref_slice %arg3[%add3A_4] : memref<16384xi32, #tpu.memory_space<hbm>> -> memref<128xi32, #tpu.memory_space<hbm>>
      tpu.enqueue_dma source(%dma_start3A_84 : memref<128xi32, #tpu.memory_space<hbm>>) target(%dma_start3A_83 : memref<128xi32, #tpu.memory_space<vmem>>) target_semaphore(%run_scoped3A_76 : memref<!tpu.dma_semaphore, #tpu.memory_space<semaphore_mem>>)
      %dma_wait3A_85 = arith.constant 0 : i32
      %dma_wait3A_86 = tpu.memref_slice %arg5[%run_scoped3A, %dma_wait3A_85] : memref<4x128xi32, #tpu.memory_space<vmem>> -> memref<1x128xi32, #tpu.memory_space<vmem>>
      %dma_wait3A_87 = tpu.memref_squeeze %dma_wait3A_86 : memref<1x128xi32, #tpu.memory_space<vmem>> -> memref<128xi32, #tpu.memory_space<vmem>>
      %dma_wait3A_88 = tpu.memref_slice %arg3[%add3A_4] : memref<16384xi32, #tpu.memory_space<hbm>> -> memref<128xi32, #tpu.memory_space<hbm>>
      %dma_wait3A_89 = arith.constant 0 : i32
      %dma_wait3A_90 = tpu.memref_slice %arg5[%run_scoped3A, %dma_wait3A_89] : memref<4x128xi32, #tpu.memory_space<vmem>> -> memref<1x128xi32, #tpu.memory_space<vmem>>
      %dma_wait3A_91 = tpu.memref_squeeze %dma_wait3A_90 : memref<1x128xi32, #tpu.memory_space<vmem>> -> memref<128xi32, #tpu.memory_space<vmem>>
      %dma_wait3A_92 = tpu.memref_slice %arg3[%add3A_4] : memref<16384xi32, #tpu.memory_space<hbm>> -> memref<128xi32, #tpu.memory_space<hbm>>
      tpu.wait_dma2 semaphore(%run_scoped3A_76 : memref<!tpu.dma_semaphore, #tpu.memory_space<semaphore_mem>>) src(%dma_wait3A_92 : memref<128xi32, #tpu.memory_space<hbm>>) dst(%dma_wait3A_91 : memref<128xi32, #tpu.memory_space<vmem>>)
      tpu.yield
    }) : () -> ()
    %add3A_5 = arith.constant 128 : i32
    %add3A_6 = arith.addi %mul3A_2, %add3A_5 : i32
    %run_scoped3A_7 = arith.constant 1 : i32
    "tpu.region"() ({
      %run_scoped3A_76 = tpu.sem_alloc : memref<!tpu.dma_semaphore, #tpu.memory_space<semaphore_mem>>
      %dma_start3A_77 = arith.constant 0 : i32
      %dma_start3A_78 = tpu.memref_slice %arg5[%run_scoped3A_7, %dma_start3A_77] : memref<4x128xi32, #tpu.memory_space<vmem>> -> memref<1x128xi32, #tpu.memory_space<vmem>>
      %dma_start3A_79 = tpu.memref_squeeze %dma_start3A_78 : memref<1x128xi32, #tpu.memory_space<vmem>> -> memref<128xi32, #tpu.memory_space<vmem>>
      %dma_start3A_80 = tpu.memref_slice %arg3[%add3A_6] : memref<16384xi32, #tpu.memory_space<hbm>> -> memref<128xi32, #tpu.memory_space<hbm>>
      %dma_start3A_81 = arith.constant 0 : i32
      %dma_start3A_82 = tpu.memref_slice %arg5[%run_scoped3A_7, %dma_start3A_81] : memref<4x128xi32, #tpu.memory_space<vmem>> -> memref<1x128xi32, #tpu.memory_space<vmem>>
      %dma_start3A_83 = tpu.memref_squeeze %dma_start3A_82 : memref<1x128xi32, #tpu.memory_space<vmem>> -> memref<128xi32, #tpu.memory_space<vmem>>
      %dma_start3A_84 = tpu.memref_slice %arg3[%add3A_6] : memref<16384xi32, #tpu.memory_space<hbm>> -> memref<128xi32, #tpu.memory_space<hbm>>
      tpu.enqueue_dma source(%dma_start3A_84 : memref<128xi32, #tpu.memory_space<hbm>>) target(%dma_start3A_83 : memref<128xi32, #tpu.memory_space<vmem>>) target_semaphore(%run_scoped3A_76 : memref<!tpu.dma_semaphore, #tpu.memory_space<semaphore_mem>>)
      %dma_wait3A_85 = arith.constant 0 : i32
      %dma_wait3A_86 = tpu.memref_slice %arg5[%run_scoped3A_7, %dma_wait3A_85] : memref<4x128xi32, #tpu.memory_space<vmem>> -> memref<1x128xi32, #tpu.memory_space<vmem>>
      %dma_wait3A_87 = tpu.memref_squeeze %dma_wait3A_86 : memref<1x128xi32, #tpu.memory_space<vmem>> -> memref<128xi32, #tpu.memory_space<vmem>>
      %dma_wait3A_88 = tpu.memref_slice %arg3[%add3A_6] : memref<16384xi32, #tpu.memory_space<hbm>> -> memref<128xi32, #tpu.memory_space<hbm>>
      %dma_wait3A_89 = arith.constant 0 : i32
      %dma_wait3A_90 = tpu.memref_slice %arg5[%run_scoped3A_7, %dma_wait3A_89] : memref<4x128xi32, #tpu.memory_space<vmem>> -> memref<1x128xi32, #tpu.memory_space<vmem>>
      %dma_wait3A_91 = tpu.memref_squeeze %dma_wait3A_90 : memref<1x128xi32, #tpu.memory_space<vmem>> -> memref<128xi32, #tpu.memory_space<vmem>>
      %dma_wait3A_92 = tpu.memref_slice %arg3[%add3A_6] : memref<16384xi32, #tpu.memory_space<hbm>> -> memref<128xi32, #tpu.memory_space<hbm>>
      tpu.wait_dma2 semaphore(%run_scoped3A_76 : memref<!tpu.dma_semaphore, #tpu.memory_space<semaphore_mem>>) src(%dma_wait3A_92 : memref<128xi32, #tpu.memory_space<hbm>>) dst(%dma_wait3A_91 : memref<128xi32, #tpu.memory_space<vmem>>)
      tpu.yield
    }) : () -> ()
    %add3A_8 = arith.constant 256 : i32
    %add3A_9 = arith.addi %mul3A_2, %add3A_8 : i32
    %run_scoped3A_10 = arith.constant 2 : i32
    "tpu.region"() ({
      %run_scoped3A_76 = tpu.sem_alloc : memref<!tpu.dma_semaphore, #tpu.memory_space<semaphore_mem>>
      %dma_start3A_77 = arith.constant 0 : i32
      %dma_start3A_78 = tpu.memref_slice %arg5[%run_scoped3A_10, %dma_start3A_77] : memref<4x128xi32, #tpu.memory_space<vmem>> -> memref<1x128xi32, #tpu.memory_space<vmem>>
      %dma_start3A_79 = tpu.memref_squeeze %dma_start3A_78 : memref<1x128xi32, #tpu.memory_space<vmem>> -> memref<128xi32, #tpu.memory_space<vmem>>
      %dma_start3A_80 = tpu.memref_slice %arg3[%add3A_9] : memref<16384xi32, #tpu.memory_space<hbm>> -> memref<128xi32, #tpu.memory_space<hbm>>
      %dma_start3A_81 = arith.constant 0 : i32
      %dma_start3A_82 = tpu.memref_slice %arg5[%run_scoped3A_10, %dma_start3A_81] : memref<4x128xi32, #tpu.memory_space<vmem>> -> memref<1x128xi32, #tpu.memory_space<vmem>>
      %dma_start3A_83 = tpu.memref_squeeze %dma_start3A_82 : memref<1x128xi32, #tpu.memory_space<vmem>> -> memref<128xi32, #tpu.memory_space<vmem>>
      %dma_start3A_84 = tpu.memref_slice %arg3[%add3A_9] : memref<16384xi32, #tpu.memory_space<hbm>> -> memref<128xi32, #tpu.memory_space<hbm>>
      tpu.enqueue_dma source(%dma_start3A_84 : memref<128xi32, #tpu.memory_space<hbm>>) target(%dma_start3A_83 : memref<128xi32, #tpu.memory_space<vmem>>) target_semaphore(%run_scoped3A_76 : memref<!tpu.dma_semaphore, #tpu.memory_space<semaphore_mem>>)
      %dma_wait3A_85 = arith.constant 0 : i32
      %dma_wait3A_86 = tpu.memref_slice %arg5[%run_scoped3A_10, %dma_wait3A_85] : memref<4x128xi32, #tpu.memory_space<vmem>> -> memref<1x128xi32, #tpu.memory_space<vmem>>
      %dma_wait3A_87 = tpu.memref_squeeze %dma_wait3A_86 : memref<1x128xi32, #tpu.memory_space<vmem>> -> memref<128xi32, #tpu.memory_space<vmem>>
      %dma_wait3A_88 = tpu.memref_slice %arg3[%add3A_9] : memref<16384xi32, #tpu.memory_space<hbm>> -> memref<128xi32, #tpu.memory_space<hbm>>
      %dma_wait3A_89 = arith.constant 0 : i32
      %dma_wait3A_90 = tpu.memref_slice %arg5[%run_scoped3A_10, %dma_wait3A_89] : memref<4x128xi32, #tpu.memory_space<vmem>> -> memref<1x128xi32, #tpu.memory_space<vmem>>
      %dma_wait3A_91 = tpu.memref_squeeze %dma_wait3A_90 : memref<1x128xi32, #tpu.memory_space<vmem>> -> memref<128xi32, #tpu.memory_space<vmem>>
      %dma_wait3A_92 = tpu.memref_slice %arg3[%add3A_9] : memref<16384xi32, #tpu.memory_space<hbm>> -> memref<128xi32, #tpu.memory_space<hbm>>
      tpu.wait_dma2 semaphore(%run_scoped3A_76 : memref<!tpu.dma_semaphore, #tpu.memory_space<semaphore_mem>>) src(%dma_wait3A_92 : memref<128xi32, #tpu.memory_space<hbm>>) dst(%dma_wait3A_91 : memref<128xi32, #tpu.memory_space<vmem>>)
      tpu.yield
    }) : () -> ()
    %add3A_11 = arith.constant 384 : i32
    %add3A_12 = arith.addi %mul3A_2, %add3A_11 : i32
    %run_scoped3A_13 = arith.constant 3 : i32
    "tpu.region"() ({
      %run_scoped3A_76 = tpu.sem_alloc : memref<!tpu.dma_semaphore, #tpu.memory_space<semaphore_mem>>
      %dma_start3A_77 = arith.constant 0 : i32
      %dma_start3A_78 = tpu.memref_slice %arg5[%run_scoped3A_13, %dma_start3A_77] : memref<4x128xi32, #tpu.memory_space<vmem>> -> memref<1x128xi32, #tpu.memory_space<vmem>>
      %dma_start3A_79 = tpu.memref_squeeze %dma_start3A_78 : memref<1x128xi32, #tpu.memory_space<vmem>> -> memref<128xi32, #tpu.memory_space<vmem>>
      %dma_start3A_80 = tpu.memref_slice %arg3[%add3A_12] : memref<16384xi32, #tpu.memory_space<hbm>> -> memref<128xi32, #tpu.memory_space<hbm>>
      %dma_start3A_81 = arith.constant 0 : i32
      %dma_start3A_82 = tpu.memref_slice %arg5[%run_scoped3A_13, %dma_start3A_81] : memref<4x128xi32, #tpu.memory_space<vmem>> -> memref<1x128xi32, #tpu.memory_space<vmem>>
      %dma_start3A_83 = tpu.memref_squeeze %dma_start3A_82 : memref<1x128xi32, #tpu.memory_space<vmem>> -> memref<128xi32, #tpu.memory_space<vmem>>
      %dma_start3A_84 = tpu.memref_slice %arg3[%add3A_12] : memref<16384xi32, #tpu.memory_space<hbm>> -> memref<128xi32, #tpu.memory_space<hbm>>
      tpu.enqueue_dma source(%dma_start3A_84 : memref<128xi32, #tpu.memory_space<hbm>>) target(%dma_start3A_83 : memref<128xi32, #tpu.memory_space<vmem>>) target_semaphore(%run_scoped3A_76 : memref<!tpu.dma_semaphore, #tpu.memory_space<semaphore_mem>>)
      %dma_wait3A_85 = arith.constant 0 : i32
      %dma_wait3A_86 = tpu.memref_slice %arg5[%run_scoped3A_13, %dma_wait3A_85] : memref<4x128xi32, #tpu.memory_space<vmem>> -> memref<1x128xi32, #tpu.memory_space<vmem>>
      %dma_wait3A_87 = tpu.memref_squeeze %dma_wait3A_86 : memref<1x128xi32, #tpu.memory_space<vmem>> -> memref<128xi32, #tpu.memory_space<vmem>>
      %dma_wait3A_88 = tpu.memref_slice %arg3[%add3A_12] : memref<16384xi32, #tpu.memory_space<hbm>> -> memref<128xi32, #tpu.memory_space<hbm>>
      %dma_wait3A_89 = arith.constant 0 : i32
      %dma_wait3A_90 = tpu.memref_slice %arg5[%run_scoped3A_13, %dma_wait3A_89] : memref<4x128xi32, #tpu.memory_space<vmem>> -> memref<1x128xi32, #tpu.memory_space<vmem>>
      %dma_wait3A_91 = tpu.memref_squeeze %dma_wait3A_90 : memref<1x128xi32, #tpu.memory_space<vmem>> -> memref<128xi32, #tpu.memory_space<vmem>>
      %dma_wait3A_92 = tpu.memref_slice %arg3[%add3A_12] : memref<16384xi32, #tpu.memory_space<hbm>> -> memref<128xi32, #tpu.memory_space<hbm>>
      tpu.wait_dma2 semaphore(%run_scoped3A_76 : memref<!tpu.dma_semaphore, #tpu.memory_space<semaphore_mem>>) src(%dma_wait3A_92 : memref<128xi32, #tpu.memory_space<hbm>>) dst(%dma_wait3A_91 : memref<128xi32, #tpu.memory_space<vmem>>)
      tpu.yield
    }) : () -> ()
    %dma_start3A = arith.constant 0 : i32
    %dma_start3A_14 = arith.constant 0 : i32
    %dma_start3A_15 = tpu.memref_slice %arg6[%dma_start3A_14] : memref<512xf32, #tpu.memory_space<vmem>> -> memref<128xf32, #tpu.memory_space<vmem>>
    %dma_start3A_16 = arith.constant 0 : i32
    %dma_start3A_17 = tpu.memref_slice %arg5[%dma_start3A, %dma_start3A_16] : memref<4x128xi32, #tpu.memory_space<vmem>> -> memref<1x128xi32, #tpu.memory_space<vmem>>
    %dma_start3A_18 = tpu.memref_squeeze %dma_start3A_17 : memref<1x128xi32, #tpu.memory_space<vmem>> -> memref<128xi32, #tpu.memory_space<vmem>>
    %dma_start3A_19 = arith.constant 0 : i32
    %dma_start3A_20 = tpu.memref_slice %arg2[%dma_start3A_19] : memref<1000000xf32, #tpu.memory_space<hbm>> -> memref<1000000xf32, #tpu.memory_space<hbm>>
    tpu.enqueue_indirect_dma source(%dma_start3A_20 : memref<1000000xf32, #tpu.memory_space<hbm>>) target(%dma_start3A_15 : memref<128xf32, #tpu.memory_space<vmem>>) offsets(%dma_start3A_18 : memref<128xi32, #tpu.memory_space<vmem>>) semaphore(%arg7 : memref<!tpu.dma_semaphore, #tpu.memory_space<semaphore_mem>>)
    %dma_start3A_21 = arith.constant 1 : i32
    %dma_start3A_22 = arith.constant 128 : i32
    %dma_start3A_23 = tpu.memref_slice %arg6[%dma_start3A_22] : memref<512xf32, #tpu.memory_space<vmem>> -> memref<128xf32, #tpu.memory_space<vmem>>
    %dma_start3A_24 = arith.constant 0 : i32
    %dma_start3A_25 = tpu.memref_slice %arg5[%dma_start3A_21, %dma_start3A_24] : memref<4x128xi32, #tpu.memory_space<vmem>> -> memref<1x128xi32, #tpu.memory_space<vmem>>
    %dma_start3A_26 = tpu.memref_squeeze %dma_start3A_25 : memref<1x128xi32, #tpu.memory_space<vmem>> -> memref<128xi32, #tpu.memory_space<vmem>>
    %dma_start3A_27 = arith.constant 0 : i32
    %dma_start3A_28 = tpu.memref_slice %arg2[%dma_start3A_27] : memref<1000000xf32, #tpu.memory_space<hbm>> -> memref<1000000xf32, #tpu.memory_space<hbm>>
    tpu.enqueue_indirect_dma source(%dma_start3A_28 : memref<1000000xf32, #tpu.memory_space<hbm>>) target(%dma_start3A_23 : memref<128xf32, #tpu.memory_space<vmem>>) offsets(%dma_start3A_26 : memref<128xi32, #tpu.memory_space<vmem>>) semaphore(%arg7 : memref<!tpu.dma_semaphore, #tpu.memory_space<semaphore_mem>>)
    %dma_start3A_29 = arith.constant 2 : i32
    %dma_start3A_30 = arith.constant 256 : i32
    %dma_start3A_31 = tpu.memref_slice %arg6[%dma_start3A_30] : memref<512xf32, #tpu.memory_space<vmem>> -> memref<128xf32, #tpu.memory_space<vmem>>
    %dma_start3A_32 = arith.constant 0 : i32
    %dma_start3A_33 = tpu.memref_slice %arg5[%dma_start3A_29, %dma_start3A_32] : memref<4x128xi32, #tpu.memory_space<vmem>> -> memref<1x128xi32, #tpu.memory_space<vmem>>
    %dma_start3A_34 = tpu.memref_squeeze %dma_start3A_33 : memref<1x128xi32, #tpu.memory_space<vmem>> -> memref<128xi32, #tpu.memory_space<vmem>>
    %dma_start3A_35 = arith.constant 0 : i32
    %dma_start3A_36 = tpu.memref_slice %arg2[%dma_start3A_35] : memref<1000000xf32, #tpu.memory_space<hbm>> -> memref<1000000xf32, #tpu.memory_space<hbm>>
    tpu.enqueue_indirect_dma source(%dma_start3A_36 : memref<1000000xf32, #tpu.memory_space<hbm>>) target(%dma_start3A_31 : memref<128xf32, #tpu.memory_space<vmem>>) offsets(%dma_start3A_34 : memref<128xi32, #tpu.memory_space<vmem>>) semaphore(%arg7 : memref<!tpu.dma_semaphore, #tpu.memory_space<semaphore_mem>>)
    %dma_start3A_37 = arith.constant 3 : i32
    %dma_start3A_38 = arith.constant 384 : i32
    %dma_start3A_39 = tpu.memref_slice %arg6[%dma_start3A_38] : memref<512xf32, #tpu.memory_space<vmem>> -> memref<128xf32, #tpu.memory_space<vmem>>
    %dma_start3A_40 = arith.constant 0 : i32
    %dma_start3A_41 = tpu.memref_slice %arg5[%dma_start3A_37, %dma_start3A_40] : memref<4x128xi32, #tpu.memory_space<vmem>> -> memref<1x128xi32, #tpu.memory_space<vmem>>
    %dma_start3A_42 = tpu.memref_squeeze %dma_start3A_41 : memref<1x128xi32, #tpu.memory_space<vmem>> -> memref<128xi32, #tpu.memory_space<vmem>>
    %dma_start3A_43 = arith.constant 0 : i32
    %dma_start3A_44 = tpu.memref_slice %arg2[%dma_start3A_43] : memref<1000000xf32, #tpu.memory_space<hbm>> -> memref<1000000xf32, #tpu.memory_space<hbm>>
    tpu.enqueue_indirect_dma source(%dma_start3A_44 : memref<1000000xf32, #tpu.memory_space<hbm>>) target(%dma_start3A_39 : memref<128xf32, #tpu.memory_space<vmem>>) offsets(%dma_start3A_42 : memref<128xi32, #tpu.memory_space<vmem>>) semaphore(%arg7 : memref<!tpu.dma_semaphore, #tpu.memory_space<semaphore_mem>>)
    %dma_wait3A = arith.constant 0 : i32
    %dma_wait3A_45 = arith.constant 0 : i32
    %dma_wait3A_46 = tpu.memref_slice %arg6[%dma_wait3A_45] : memref<512xf32, #tpu.memory_space<vmem>> -> memref<128xf32, #tpu.memory_space<vmem>>
    %dma_wait3A_47 = arith.constant 0 : i32
    %dma_wait3A_48 = tpu.memref_slice %arg5[%dma_wait3A, %dma_wait3A_47] : memref<4x128xi32, #tpu.memory_space<vmem>> -> memref<1x128xi32, #tpu.memory_space<vmem>>
    %dma_wait3A_49 = tpu.memref_squeeze %dma_wait3A_48 : memref<1x128xi32, #tpu.memory_space<vmem>> -> memref<128xi32, #tpu.memory_space<vmem>>
    %dma_wait3A_50 = arith.constant 0 : i32
    %dma_wait3A_51 = tpu.memref_slice %arg2[%dma_wait3A_50] : memref<1000000xf32, #tpu.memory_space<hbm>> -> memref<1000000xf32, #tpu.memory_space<hbm>>
    tpu.wait_indirect_dma semaphore(%arg7 : memref<!tpu.dma_semaphore, #tpu.memory_space<semaphore_mem>>) src(%dma_wait3A_51 : memref<1000000xf32, #tpu.memory_space<hbm>>) dst(%dma_wait3A_46 : memref<128xf32, #tpu.memory_space<vmem>>)
    %dma_wait3A_52 = arith.constant 1 : i32
    %dma_wait3A_53 = arith.constant 128 : i32
    %dma_wait3A_54 = tpu.memref_slice %arg6[%dma_wait3A_53] : memref<512xf32, #tpu.memory_space<vmem>> -> memref<128xf32, #tpu.memory_space<vmem>>
    %dma_wait3A_55 = arith.constant 0 : i32
    %dma_wait3A_56 = tpu.memref_slice %arg5[%dma_wait3A_52, %dma_wait3A_55] : memref<4x128xi32, #tpu.memory_space<vmem>> -> memref<1x128xi32, #tpu.memory_space<vmem>>
    %dma_wait3A_57 = tpu.memref_squeeze %dma_wait3A_56 : memref<1x128xi32, #tpu.memory_space<vmem>> -> memref<128xi32, #tpu.memory_space<vmem>>
    %dma_wait3A_58 = arith.constant 0 : i32
    %dma_wait3A_59 = tpu.memref_slice %arg2[%dma_wait3A_58] : memref<1000000xf32, #tpu.memory_space<hbm>> -> memref<1000000xf32, #tpu.memory_space<hbm>>
    tpu.wait_indirect_dma semaphore(%arg7 : memref<!tpu.dma_semaphore, #tpu.memory_space<semaphore_mem>>) src(%dma_wait3A_59 : memref<1000000xf32, #tpu.memory_space<hbm>>) dst(%dma_wait3A_54 : memref<128xf32, #tpu.memory_space<vmem>>)
    %dma_wait3A_60 = arith.constant 2 : i32
    %dma_wait3A_61 = arith.constant 256 : i32
    %dma_wait3A_62 = tpu.memref_slice %arg6[%dma_wait3A_61] : memref<512xf32, #tpu.memory_space<vmem>> -> memref<128xf32, #tpu.memory_space<vmem>>
    %dma_wait3A_63 = arith.constant 0 : i32
    %dma_wait3A_64 = tpu.memref_slice %arg5[%dma_wait3A_60, %dma_wait3A_63] : memref<4x128xi32, #tpu.memory_space<vmem>> -> memref<1x128xi32, #tpu.memory_space<vmem>>
    %dma_wait3A_65 = tpu.memref_squeeze %dma_wait3A_64 : memref<1x128xi32, #tpu.memory_space<vmem>> -> memref<128xi32, #tpu.memory_space<vmem>>
    %dma_wait3A_66 = arith.constant 0 : i32
    %dma_wait3A_67 = tpu.memref_slice %arg2[%dma_wait3A_66] : memref<1000000xf32, #tpu.memory_space<hbm>> -> memref<1000000xf32, #tpu.memory_space<hbm>>
    tpu.wait_indirect_dma semaphore(%arg7 : memref<!tpu.dma_semaphore, #tpu.memory_space<semaphore_mem>>) src(%dma_wait3A_67 : memref<1000000xf32, #tpu.memory_space<hbm>>) dst(%dma_wait3A_62 : memref<128xf32, #tpu.memory_space<vmem>>)
    %dma_wait3A_68 = arith.constant 3 : i32
    %dma_wait3A_69 = arith.constant 384 : i32
    %dma_wait3A_70 = tpu.memref_slice %arg6[%dma_wait3A_69] : memref<512xf32, #tpu.memory_space<vmem>> -> memref<128xf32, #tpu.memory_space<vmem>>
    %dma_wait3A_71 = arith.constant 0 : i32
    %dma_wait3A_72 = tpu.memref_slice %arg5[%dma_wait3A_68, %dma_wait3A_71] : memref<4x128xi32, #tpu.memory_space<vmem>> -> memref<1x128xi32, #tpu.memory_space<vmem>>
    %dma_wait3A_73 = tpu.memref_squeeze %dma_wait3A_72 : memref<1x128xi32, #tpu.memory_space<vmem>> -> memref<128xi32, #tpu.memory_space<vmem>>
    %dma_wait3A_74 = arith.constant 0 : i32
    %dma_wait3A_75 = tpu.memref_slice %arg2[%dma_wait3A_74] : memref<1000000xf32, #tpu.memory_space<hbm>> -> memref<1000000xf32, #tpu.memory_space<hbm>>
    tpu.wait_indirect_dma semaphore(%arg7 : memref<!tpu.dma_semaphore, #tpu.memory_space<semaphore_mem>>) src(%dma_wait3A_75 : memref<1000000xf32, #tpu.memory_space<hbm>>) dst(%dma_wait3A_70 : memref<128xf32, #tpu.memory_space<vmem>>)
    "tpu.region"() ({
      %run_scoped3A_76 = tpu.sem_alloc : memref<!tpu.dma_semaphore, #tpu.memory_space<semaphore_mem>>
      %dma_start3A_77 = tpu.memref_slice %arg4[%mul3A_2] : memref<16384xf32, #tpu.memory_space<hbm>> -> memref<512xf32, #tpu.memory_space<hbm>>
      %dma_start3A_78 = tpu.memref_slice %arg4[%mul3A_2] : memref<16384xf32, #tpu.memory_space<hbm>> -> memref<512xf32, #tpu.memory_space<hbm>>
      tpu.enqueue_dma source(%arg6 : memref<512xf32, #tpu.memory_space<vmem>>) target(%dma_start3A_78 : memref<512xf32, #tpu.memory_space<hbm>>) target_semaphore(%run_scoped3A_76 : memref<!tpu.dma_semaphore, #tpu.memory_space<semaphore_mem>>)
      %dma_wait3A_79 = tpu.memref_slice %arg4[%mul3A_2] : memref<16384xf32, #tpu.memory_space<hbm>> -> memref<512xf32, #tpu.memory_space<hbm>>
      %dma_wait3A_80 = tpu.memref_slice %arg4[%mul3A_2] : memref<16384xf32, #tpu.memory_space<hbm>> -> memref<512xf32, #tpu.memory_space<hbm>>
      tpu.wait_dma2 semaphore(%run_scoped3A_76 : memref<!tpu.dma_semaphore, #tpu.memory_space<semaphore_mem>>) src(%arg6 : memref<512xf32, #tpu.memory_space<vmem>>) dst(%dma_wait3A_80 : memref<512xf32, #tpu.memory_space<hbm>>)
      tpu.yield
    }) : () -> ()
    return
  }
}

module attributes {stable_mosaic.version = 14 : i64} {
  func.func @_matvec_body(%arg0: i32, %arg1: memref<1x64xf32, #tpu.memory_space<vmem>>, %arg2: memref<64x32768xf32, #tpu.memory_space<vmem>>, %arg3: memref<1x1xf32, #tpu.memory_space<smem>>, %arg4: memref<1x32768xf32, #tpu.memory_space<vmem>>) attributes {dimension_semantics = [#tpu.dimension_semantics<parallel>], iteration_bounds = array<i64: 12>, scalar_prefetch = 0 : i64, scratch_operands = 0 : i64, tpu.core_type = #tpu.core_type<tc>, window_params = [{pipeline_mode = #tpu.pipeline_mode<synchronous>, transform_indices = @transform_0, window_bounds = array<i64: 1, 64>}, {transform_indices = @transform_1, window_bounds = array<i64: 64, 32768>}, {transform_indices = @transform_2, window_bounds = array<i64: 1, 1>}, {transform_indices = @transform_3, window_bounds = array<i64: 1, 32768>}]} {
    %get3A = arith.constant 0 : index
    %get3A_0 = arith.constant 0 : index
    %get3A_1 = vector.load %arg1[%get3A, %get3A_0] : memref<1x64xf32, #tpu.memory_space<vmem>>, vector<1x64xf32>
    %get3A_2 = arith.constant 0 : index
    %get3A_3 = arith.constant 0 : index
    %get3A_4 = vector.load %arg2[%get3A_2, %get3A_3] : memref<64x32768xf32, #tpu.memory_space<vmem>>, vector<64x32768xf32>
    %dot_general3A = arith.constant dense<0.000000e+00> : vector<1x32768xf32>
    %dot_general3A_5 = tpu.matmul %get3A_1, %get3A_4, %dot_general3A {dimension_numbers = #tpu.dot_dimension_numbers<[1], [0], [0], [1], [0, 0, 1, 1], [], []>, transpose_lhs_hint = false} : vector<1x64xf32>, vector<64x32768xf32>, vector<1x32768xf32> -> vector<1x32768xf32>
    %get3A_6 = arith.constant 0 : index
    %get3A_7 = arith.constant 0 : index
    %get3A_8 = memref.load %arg3[%get3A_6, %get3A_7] : memref<1x1xf32, #tpu.memory_space<smem>>
    %add3A = vector.broadcast %get3A_8 : f32 to vector<1x32768xf32>
    %add3A_9 = arith.addf %dot_general3A_5, %add3A : vector<1x32768xf32>
    %swap3A = arith.constant 0 : index
    %swap3A_10 = arith.constant 0 : index
    %swap3A_11 = vector.load %arg4[%swap3A, %swap3A_10] : memref<1x32768xf32, #tpu.memory_space<vmem>>, vector<1x32768xf32>
    tpu.vector_store %arg4[%swap3A, %swap3A_10], %add3A_9 {strides = array<i32>} : memref<1x32768xf32, #tpu.memory_space<vmem>>, vector<1x32768xf32>,
    return
  }
  func.func @transform_0(%arg0: i32) -> (i32, i32) {
    %c0_i32 = arith.constant 0 : i32
    %c0_i32_0 = arith.constant 0 : i32
    %c0_i32_1 = arith.constant 0 : i32
    return %c0_i32, %c0_i32_0 : i32, i32
  }
  func.func @transform_1(%arg0: i32) -> (i32, i32) {
    %add3A = arith.constant 19 : i32
    %add3A_0 = arith.addi %arg0, %add3A : i32
    %c0_i32 = arith.constant 0 : i32
    %c0_i32_1 = arith.constant 0 : i32
    return %c0_i32, %add3A_0 : i32, i32
  }
  func.func @transform_2(%arg0: i32) -> (i32, i32) {
    %c0_i32 = arith.constant 0 : i32
    %c0_i32_0 = arith.constant 0 : i32
    %c0_i32_1 = arith.constant 0 : i32
    return %c0_i32, %c0_i32_0 : i32, i32
  }
  func.func @transform_3(%arg0: i32) -> (i32, i32) {
    %add3A = arith.constant 19 : i32
    %add3A_0 = arith.addi %arg0, %add3A : i32
    %c0_i32 = arith.constant 0 : i32
    %c0_i32_1 = arith.constant 0 : i32
    return %c0_i32, %add3A_0 : i32, i32
  }
}

</mosaic_0001>

<sc_bundles>
// kernel: kernel.5.cloned.1.call-start
scs
__scs_entry_jumppad:
0x0: {  	(pc) =	sbr.rel $0x88, $3  }
0x1: {  	(tag) =	ssettag $0x0;
	lr =	simm.s32 $0x1  }
0x2: {  	[smem:$0x3F9D] =	sst lr;
	_ =	strace $0xD0000000  }
0x3: {  	_ = 	snop  }
0x4: {  	_ = 	snop  }
0x5: {  	_ = 	snop  }
0x6: {  	_ = 	snop  }
0x7: {  	_ = 	snop  }
__scs_overlays_trampoline_lowered:
0x8: {  	[smem:$0x3FAC] =	sst s0  }
0x9: {  	[smem:$0x3FAD] =	sst s1  }
0xa: {  	[smem:$0x3FAE] =	sst s2  }
0xb: {  	[smem:$0x3FAF] =	sst s3  }
0xc: {  	[smem:$0x3FB0] =	sst s4  }
0xd: {  	[smem:$0x3FB1] =	sst s5  }
0xe: {  	[smem:$0x3FB2] =	sst s6  }
0xf: {  	[smem:$0x3FB3] =	sst s7  }
0x10: {  	[smem:$0x3FB4] =	sst s8  }
0x11: {  	[smem:$0x3FB5] =	sst s9;
	s0 =	simm.s32 @!p0 $0x0  }
0x12: {  	s1 =	sld [smem:$0x3F9B];
	s0 =	simm.s32 @p0 $0x1  }
0x13: {  	[smem:$0x3FB6] =	sst s0;
	s0 =	simm.s32 @!p1 $0x0  }
0x14: {  	s2 =	sld [smem:$0x3F9A];
	s0 =	simm.s32 @p1 $0x1  }
0x15: {  	[smem:$0x3FB7] =	sst s0;
	s0 =	simm.s32 @!p2 $0x0  }
0x16: {  	s3 =	sld [smem:$0x3FDB];
	s0 =	simm.s32 @p2 $0x1  }
0x17: {  	s4 =	simm.s32 $0x1BF5;
	[smem:$0x3FB9] =	sst s0  }
0x18: {  	s0 =	sld [smem:$0x3F9C];
	_ =	swait.ge [sflag:s4], $0x0  }
0x19: {  	s7 =	sld [smem:$0x3F9D]  }
0x1a: {  	s8 =	sadd.s32 $0xFFFFE003, lr  }
0x1b: {  	s9 =	sadd.s32 $0xFFFFFEF7, lr;
	s5 =	simm.s32 $0xFFFFFFFF;
	p2 =	slt.u32 s8, $0xFFFFF086  }
0x1c: {  	p1 =	slt.u32 s9, $0xF7A;
	s5 =	simm.s32 @!p2 $0x0  }
0x1d: {  	s5 =	simm.s32 @p1 $0x1;
	p0 =	seq.s32 s7, s2  }
0x1e: {  	s7 =	smul.u32 @!p0 $0xF7A, s2;
	p2 =	seq.s32 @!p0 s5, $0x0  }
0x1f: {  	s9 =	smul.u32 $0xF7A, s1;
	s8 =	simm.s32 @!p0 $0x1BF5;
	p2 =	por !p2, p0  }
0x20: {  	[sflag:s8] =	ssyncset.s32 @!p0 $0xFFFFF086;
	s6 =	sadd.s32 @!p0 s3, s7;
	s7 =	simm.s32 @!p0 $0x108  }
0x21: {  	s3 =	sadd.s32 s3, s9;
	s6 =	sadd.s32 @!p0 $0x88, s6;
	s7 =	simm.s32 @p2 $0x1082  }
0x22: {  	[simem:s7], [sflag:s8] =	dma.local @!p0 [hbm:s6], $0xF7A  }
0x23: {  	s9 =	sor.u32 $0xD0000000, s2;
	s6 =	simm.s32 $0x108;
	_ =	swait.ge @!p0 [sflag:s8], $0x0  }
0x24: {  	s3 =	sadd.s32 $0x88, s3;
	s6 =	simm.s32 @!p1 $0x1082;
	[sflag:s4] =	ssyncset.s32 $0xFFFFF086  }
0x25: {  	[simem:s6], [sflag:s4] =	dma.local [hbm:s3], $0xF7A  }
0x26: {  	[smem:$0x3F9D] =	sst s1;
	(tag) =	ssettag s2;
	_ =	strace s9  }
0x27: {  	s1 =	sld [smem:$0x3FAD]  }
0x28: {  	s2 =	sld [smem:$0x3FAE]  }
0x29: {  	s4 =	sld [smem:$0x3FB0]  }
0x2a: {  	p0 =	seq.s32 s5, $0x0;
	s5 =	sld [smem:$0x3FB1]  }
0x2b: {  	s6 =	sld [smem:$0x3FB2]  }
0x2c: {  	s7 =	sld [smem:$0x3FB3]  }
0x2d: {  	s3 =	simm.s32 $0x108;
	s8 =	sld [smem:$0x3FB4]  }
0x2e: {  	s3 =	simm.s32 @!p0 $0x1082;
	s9 =	sld [smem:$0x3FB5]  }
0x2f: {  	lr =	sadd.s32 s0, s3;
	s0 =	sld [smem:$0x3FAC]  }
0x30: {  	s3 =	sld [smem:$0x3FAF]  }
0x31: {  	[smem:$0x3FB8] =	sst s10  }
0x32: {  	s10 =	sld [smem:$0x3FB6];
	_ =	sdelay $0x3  }
0x33: {  	p0 =	seq.s32 s10, $0x1;
	s10 =	sld [smem:$0x3FB8];
	_ =	sdelay $0x3  }
0x34: {  	[smem:$0x3FB8] =	sst s10  }
0x35: {  	s10 =	sld [smem:$0x3FB7];
	_ =	sdelay $0x3  }
0x36: {  	p1 =	seq.s32 s10, $0x1;
	s10 =	sld [smem:$0x3FB8];
	_ =	sdelay $0x3  }
0x37: {  	[smem:$0x3FB8] =	sst s10  }
0x38: {  	s10 =	sld [smem:$0x3FB9]  }
0x39: {  	_ = 	snop;
	(pc) =	sbr.ind lr, $3  }
0x3a: {  	_ = 	snop  }
0x3b: {  	_ = 	snop  }
0x3c: {  	p2 =	seq.s32 s10, $0x1;
	s10 =	sld [smem:$0x3FB8]  }
0x3d: {  	_ =	shalt  }
0x3e: {  	_ =	shalt  }
0x3f: {  	_ =	shalt  }
0x40: {  	_ =	shalt  }
0x41: {  	_ =	shalt  }
0x42: {  	_ =	shalt  }
0x43: {  	_ =	shalt  }
0x44: {  	_ =	shalt  }
0x45: {  	_ =	shalt  }
0x46: {  	_ =	shalt  }
0x47: {  	_ =	shalt  }
0x48: {  	_ =	shalt  }
0x49: {  	_ =	shalt  }
0x4a: {  	_ =	shalt  }
0x4b: {  	_ =	shalt  }
0x4c: {  	_ =	shalt  }
0x4d: {  	_ =	shalt  }
0x4e: {  	_ =	shalt  }
0x4f: {  	_ =	shalt  }
0x50: {  	_ =	shalt  }
0x51: {  	_ =	shalt  }
0x52: {  	_ =	shalt  }
0x53: {  	_ =	shalt  }
0x54: {  	_ =	shalt  }
0x55: {  	_ =	shalt  }
0x56: {  	_ =	shalt  }
0x57: {  	_ =	shalt  }
0x58: {  	_ =	shalt  }
0x59: {  	_ =	shalt  }
0x5a: {  	_ =	shalt  }
0x5b: {  	_ =	shalt  }
0x5c: {  	_ =	shalt  }
0x5d: {  	_ =	shalt  }
0x5e: {  	_ =	shalt  }
0x5f: {  	_ =	shalt  }
0x60: {  	_ =	shalt  }
0x61: {  	_ =	shalt  }
0x62: {  	_ =	shalt  }
0x63: {  	_ =	shalt  }
0x64: {  	_ =	shalt  }
0x65: {  	_ =	shalt  }
0x66: {  	_ =	shalt  }
0x67: {  	_ =	shalt  }
0x68: {  	_ =	shalt  }
0x69: {  	_ =	shalt  }
0x6a: {  	_ =	shalt  }
0x6b: {  	_ =	shalt  }
0x6c: {  	_ =	shalt  }
0x6d: {  	_ =	shalt  }
0x6e: {  	_ =	shalt  }
0x6f: {  	_ =	shalt  }
0x70: {  	_ =	shalt  }
0x71: {  	_ =	shalt  }
0x72: {  	_ =	shalt  }
0x73: {  	_ =	shalt  }
0x74: {  	_ =	shalt  }
0x75: {  	_ =	shalt  }
0x76: {  	_ =	shalt  }
0x77: {  	_ =	shalt  }
0x78: {  	_ =	shalt  }
0x79: {  	_ =	shalt  }
0x7a: {  	_ =	shalt  }
0x7b: {  	_ =	shalt  }
0x7c: {  	_ =	shalt  }
0x7d: {  	_ =	shalt  }
0x7e: {  	_ =	shalt  }
0x7f: {  	_ =	shalt  }
0x80: {  	_ =	shalt  }
0x81: {  	_ =	shalt  }
0x82: {  	_ =	shalt  }
0x83: {  	_ =	shalt  }
0x84: {  	_ =	shalt  }
0x85: {  	_ =	shalt  }
0x86: {  	_ =	shalt  }
0x87: {  	_ =	shalt  }
.Lfunc_end0:
.L_simem_size_0:
called_computation_lowered:
.L_overlay_start_0:
0x88: {  	s2 =	sld [smem:$0x3FD9]  }
0x89: {  	s3 =	sld [smem:$0x3FFE];
	_ =	sdelay $0x1  }
0x8a: {  	s1 =	srdreg.scid  }
0x8b: {  	s0 =	sand.u32 $0x1, s1  }
0x8c: {  	s17 =	sshll.u32 s0, $0xA;
	s2 =	sadd.s32 s3, s2  }
0x8d: {  	s2 =	sadd.s32 s2, s17  }
0x8e: {  	[smem:$0x3FC4] =	sst s2  }
0x8f: {  	_ = 	snop  }
0x90: {  	s2 =	sld [smem:$0x3FC8]  }
0x91: {  	s18 =	sld [smem:$0x3FD0];
	(tm) =	ssettm $0x1  }
0x92: {  	s4 =	sld [smem:$0x3FFB];
	_ =	sdelay $0x3  }
0x93: {  	_ =	strace s4  }
0x94: {  	s4 =	sld [smem:$0x3FFC];
	_ =	sdelay $0x3  }
0x95: {  	_ =	strace s4  }
0x96: {  	s4 =	sld [smem:$0x3FFD];
	_ =	sdelay $0x3  }
0x97: {  	_ =	strace s4  }
0x98: {  	_ =	strace $0x8FFFFFFF  }
0x99: {  	s19 =	sld [smem:$0x3FDB];
	_ =	sdelay $0x1  }
0x9a: {  	s5 =	simm.s32 $_scs_section_size  }
0x9b: {  	s6 =	simm.s32 $_size__tile_overlayer_lowered;
	s7 =	simm.s32 $_tile_overlayer_lowered  }
0x9c: {  	s22 =	simm.s32 $0x1BFF;
	s21 =	sshll.u32 s7, $0x1;
	s4 =	sadd.s32 s5, s19  }
0x9d: {  	s8 =	simm.s32 $0x0;
	s20 =	sshll.u32 s6, $0x1;
	s6 =	sadd.s32 s21, s4  }
0x9e: {  	[timem:s8], [sflag:s22] =	dma.local [hbm:s6], s20  }
0x9f: {  	_ =	swait.ge [sflag:s22], s20  }
0xa0: {  	s5 =	ssub.s32 $0x0, s20;
	[sflag:s22] =	ssyncset.done $0x0  }
0xa1: {  	[sflag:s22] =	ssyncadd.s32 s5;
	_ =	sdelay $0x1  }
0xa2: {  	s23 =	simm.s32 $0x1B8B  }
0xa3: {  	_ =	swait.ge [sflag:s23], $0x1  }
0xa4: {  	[sflag:s23] =	ssyncset.done $0x0  }
0xa5: {  	s25 =	simm.s32 $0x1B8E;
	s24 =	sld [smem:$0x3FFE];
	[sflag:s23] =	ssyncadd.s32 $0xFFFFFFFF  }
0xa6: {  	s26 =	simm.s32 $execute0_lowered;
	[smem:$0x3FD2] =	sst s25  }
0xa7: {  	s6 =	sshll.u32 s26, $0x1;
	_ =	strace $0x80000046;
	[dreg:$0x1] =	wrdreg $0xFFFFFFFF  }
0xa8: {  	s28 =	simm.s32 $_size_execute0_lowered;
	s4 =	sadd.s32 s4, s6;
	[dreg:$0x0] =	wrdreg $0x0  }
0xa9: {  	s6 =	sshll.u32 s28, $0x1;
	[dreg:$0x2] =	wrdreg s4  }
0xaa: {  	[dreg:$0x3] =	wrdreg s6  }
0xab: {  	[dreg:$0x4] =	wrdreg $0xC0  }
0xac: {  	_ =	task [dreg:s8], $0x5FFFF  }
0xad: {  	[dreg:$0x1] =	wrdreg $0xFFFFFFFF  }
0xae: {  	[dreg:$0x0] =	wrdreg $0x60  }
0xaf: {  	[dreg:$0x2] =	wrdreg s2  }
0xb0: {  	[dreg:$0x3] =	wrdreg s18  }
0xb1: {  	[dreg:$0x4] =	wrdreg s24  }
0xb2: {  	[dreg:$0x5] =	wrdreg $0x9  }
0xb3: {  	_ =	task.clear_ibuf [dreg:s8], $0x6FFFF;
	_ =	strace $0x90000046  }
0xb4: {  	s29 =	simm.s32 $0x9;
	_ =	strace $0x80000048  }
0xb5: {  	_ =	swait.ge [sflag:s29], $0x1  }
0xb6: {  	[sflag:s29] =	ssyncadd.s32 $0xFFFFFFFF  }
0xb7: {  	_ =	strace $0x90000048  }
0xb8: {  	_ =	sfence  }
0xb9: {  	s30 =	sld [smem:$0x0];
	_ =	sdelay $0x2  }
0xba: {  	s31 =	sshll.u32 s1, $0xD;
	s1 =	sshrl.u32 s1, $0x2  }
0xbb: {  	s3 =	sand.u32 $0x4000, s31;
	s1 =	sadd.s32 s1, s30  }
0xbc: {  	s0 =	sor.u32 s3, s0;
	s1 =	sshll.u32 s1, $0x11  }
0xbd: {  	s0 =	sor.u32 s1, s0  }
0xbe: {  	s0 =	sadd.s32 $0x8F2B, s0  }
0xbf: {  	[sflag:s0] =	ssyncadd.remote.s32 $0x1  }
0xc0: {  	_ =	sfence.sel $0xFFFF  }
0xc1: {  	[dreg:$0x0] =	wrdreg $0xFFFFFFFF;
	(pc) =	sbr.abs _section_cstart, $3  }
0xc2: {  	[dreg:$0x1] =	wrdreg $0xFFFFFFFF  }
0xc3: {  	_ =	task.clear_ibuf [dreg:s8], $0x2FFFF;
	_ =	strace $0x9FFFFFFF  }
0xc4: {  	(tm) =	ssettm $0x7FFFFFFF  }
0xc5: {  	_ =	shalt  }
tec
execute0_lowered:
.L_overlay_start_1:
0x0: {  	(tag) =	ssettag $0x1  }
0x1: {  	s1 =	rddreg [dreg:$0x0]  }
0x2: {  	s3 =	rddreg [dreg:$0x1];
	s0 =	srdreg.scid  }
0x3: {  	s4 =	stileid.u32;
	s2 =	rddreg [dreg:$0x2];
	s11 =	simm.s32 $0x10000  }
0x4: {  	s12 =	simm.s32 $0x5;
	s13 =	simm.s32 $0x10400;
	s14 =	simm.s32 $0x1000  }
0x5: {  	s15 =	simm.s32 $0x7A1400;
	s16 =	simm.s32 $0x1;
	s17 =	simm.s32 $0x8000  }
0x6: {  	s18 =	simm.s32 $0x10480;
	s19 =	simm.s32 $0x2;
	s20 =	simm.s32 $0x10680  }
0x7: {  	s21 =	simm.s32 $0x3;
	s0 =	sand.u32 $0x1, s0;
	s5 =	sshll.u32 s4, $0x1  }
0x8: {  	s22 =	simm.s32 $0x4;
	s23 =	simm.s32 $0x0;
	s5 =	sor.u32 s0, s5  }
0x9: {  	s4 =	simm.s32 $0x0;
	s0 =	ssub.s32 $0x2, s0;
	s5 =	smul.u32 $0x4C00, s5  }
0xa: {  	s6 =	sadd.s32 $0x800, s2;
	s7 =	sadd.s32 $0xA00, s2;
	s8 =	sshrl.u32 s0, $0x1  }
0xb: {  	[smem:$0x7FF] =	sst s4;
	s0 =	ssub.s32 s0, s8;
	s8 =	sadd.s32 s1, s5  }
0xc: {  	_ =	strace $0x80000047;
	s10 =	smax.u32 s0, $0x1;
	s9 =	sadd.s32 $0x400, s8  }
.LBB2_1:
0xd: {  	[tilespmem:s11], [sflag:$0x5] =	stream.linear.gather [hbm4b:s3+s4], $0x400, $0x38;
	[tilespmem:$0x10880] =	vst v63  }
0xe: {  	_ =	swait.ge [sflag:s12], $0x400  }
0xf: {  	[sflag:s12] =	ssyncset.done $0x0  }
0x10: {  	[sflag:s12] =	ssyncadd.s32 $0xFFFFFC00  }
0x11: {  	[tilespmem:s13], [sflag:$0x5] =	stream.linear.gather [hbm4b:s6+s4], $0x80, $0x38;
	[tilespmem:$0x10880] =	vst v63  }
0x12: {  	_ =	swait.ge [sflag:s12], $0x80  }
0x13: {  	[sflag:s12] =	ssyncset.done $0x0  }
0x14: {  	s24 =	simm.s32 $0x0;
	[sflag:s12] =	ssyncadd.s32 $0xFFFFFF80  }
0x15: {  	[tilespmem:s4], [sflag:$0x1] =	stream.strided.gather [hbm4b:s8+s14], $0x8000, s15, s14, $0x38;
	[tilespmem:$0x10880] =	vst v63  }
.LBB2_2:
0x16: {  	s26 =	sshll.u32 s24, $0xA  }
0x17: {  	_ =	swait.ge [sflag:s16], $0x8000;
	s0 =	sadd.s32 s26, s5  }
0x18: {  	[sflag:s16] =	ssyncset.done $0x0;
	s25 =	sadd.s32 $0x200, s0  }
0x19: {  	p0 =	seq.s32 s24, $0x0;
	[sflag:s16] =	ssyncadd.s32 $0xFFFF8000;
	s0 =	sadd.s32 s1, s25  }
0x1a: {  	[tilespmem:s17], [sflag:$0x2] =	stream.strided.gather [hbm4b:s0+s14], $0x8000, s15, s14, $0x38;
	[tilespmem:$0x10880] =	vst v63  }
0x1b: {  	s0 =	simm.s32 @!p0 $0x3  }
0x1c: {  	_ =	swait.ge @!p0 [sflag:s0], $0x200  }
0x1d: {  	[sflag:s0] =	ssyncset.done @!p0 $0x0  }
0x1e: {  	s31 =	simm.s32 $0x0;
	[sflag:s0] =	ssyncadd.s32 @!p0 $0xFFFFFE00  }
0x1f: {  	s2 =	simm.s32 $0x10000;
	s28 =	sand.u32 $0x7000, s31;
	s0 =	sand.u32 $0x380, s31;
	v2 =	vld [tilespmem:$0x10400]  }
0x20: {  	v1 =	vld [tilespmem:s2+$0x0];
	s31 =	sor.u32 s0, s28  }
0x21: {  	v0 =	vld [tilespmem:s31+$0xC70]  }
0x22: {  	v3 =	vld [tilespmem:s31+$0x0]  }
0x23: {  	v4 =	vld [tilespmem:s31+$0x10]  }
0x24: {  	v5 =	vld [tilespmem:s31+$0x20]  }
0x25: {  	v6 =	vld [tilespmem:s31+$0x30]  }
0x26: {  	v7 =	vld [tilespmem:s31+$0x40]  }
0x27: {  	v8 =	vld [tilespmem:s31+$0x50]  }
0x28: {  	v9 =	vld [tilespmem:s31+$0x60]  }
0x29: {  	v10 =	vld [tilespmem:s31+$0x70]  }
0x2a: {  	v11 =	vld [tilespmem:s31+$0x400]  }
0x2b: {  	v12 =	vld [tilespmem:s31+$0x410]  }
0x2c: {  	v13 =	vld [tilespmem:s31+$0x420]  }
0x2d: {  	v14 =	vld [tilespmem:s31+$0x430]  }
0x2e: {  	v15 =	vld [tilespmem:s31+$0x440];
	v3 =	vmul.f32 v3, v1  }
0x2f: {  	v16 =	vld [tilespmem:s31+$0x450];
	v4 =	vmul.f32 v4, v1  }
0x30: {  	v17 =	vld [tilespmem:s31+$0x460];
	v0 =	vmul.f32 v0, v1;
	v29 =	vadd.f32 v3, v2;
	v3 =	vmul.f32 v6, v1  }
0x31: {  	v31 =	vld [tilespmem:s31+$0x870];
	v5 =	vmul.f32 v5, v1;
	v30 =	vadd.f32 v4, v2;
	v4 =	vmul.f32 v8, v1  }
0x32: {  	v6 =	vmul.f32 v7, v1;
	v7 =	vld [tilespmem:s31+$0x470];
	v27 =	vadd.f32 v3, v2;
	v3 =	vmul.f32 v9, v1  }
0x33: {  	v26 =	vadd.f32 v5, v2;
	v5 =	vld [tilespmem:s31+$0x800];
	v21 =	vadd.f32 v4, v2;
	v4 =	vmul.f32 v10, v1  }
0x34: {  	v20 =	vadd.f32 v6, v2;
	v6 =	vld [tilespmem:s31+$0x810];
	v25 =	vadd.f32 v3, v2;
	v3 =	vmul.f32 v12, v1  }
0x35: {  	v8 =	vmul.f32 v11, v1;
	v9 =	vld [tilespmem:s31+$0x820];
	v28 =	vadd.f32 v4, v2;
	v4 =	vmul.f32 v14, v1  }
0x36: {  	v11 =	vld [tilespmem:s31+$0x830];
	v10 =	vmul.f32 v13, v1;
	v23 =	vadd.f32 v3, v2;
	v3 =	vmul.f32 v15, v1  }
0x37: {  	v22 =	vadd.f32 v8, v2;
	v8 =	vld [tilespmem:s31+$0x840];
	v15 =	vadd.f32 v4, v2;
	v4 =	vmul.f32 v16, v1  }
0x38: {  	v14 =	vadd.f32 v10, v2;
	v12 =	vld [tilespmem:s31+$0x850];
	v19 =	vadd.f32 v3, v2;
	v3 =	vmul.f32 v7, v1  }
0x39: {  	v18 =	vld [tilespmem:s31+$0x860];
	v10 =	vmul.f32 v17, v1;
	v24 =	vadd.f32 v4, v2;
	v4 =	vmul.f32 v6, v1  }
0x3a: {  	v32 =	vld [tilespmem:s31+$0xC10];
	v5 =	vmul.f32 v5, v1;
	v17 =	vadd.f32 v3, v2;
	v3 =	vmul.f32 v9, v1  }
0x3b: {  	v16 =	vadd.f32 v10, v2;
	v6 =	vld [tilespmem:s31+$0xC00];
	v10 =	vadd.f32 v4, v2;
	v4 =	vmul.f32 v11, v1  }
0x3c: {  	v13 =	vadd.f32 v5, v2;
	v5 =	vmul.f32 v8, v1;
	v11 =	vadd.f32 v3, v2  }
0x3d: {  	v37 =	vld [tilespmem:s31+$0xC20];
	v3 =	vmul.f32 v12, v1;
	v12 =	vadd.f32 v4, v2;
	v4 =	vmul.f32 v31, v1  }
0x3e: {  	v36 =	vld [tilespmem:s31+$0xC30];
	v9 =	vmul.f32 v18, v1  }
0x3f: {  	v34 =	vld [tilespmem:s31+$0xC40];
	v41 =	vmul.f32 v32, v1;
	v0 =	vadd.f32 v0, v2;
	v7 =	vadd.f32 v5, v2  }
0x40: {  	s29 =	simm.s32 $0x80;
	s30 =	simm.s32 $0x400;
	s2 =	simm.s32 $0x200;
	v33 =	vld [tilespmem:s31+$0xC50];
	v32 =	vmovc v2;
	v18 =	vmovc v2;
	v5 =	vadd.f32 v9, v2;
	v31 =	vmov v2;
	v40 =	vmul.f32 v6, v1  }
0x41: {  	s28 =	simm.s32 $0x10010;
	s0 =	sand.u32 $0x380, s29;
	s2 =	sand.u32 $0x7000, s2;
	v35 =	vld [tilespmem:s31+$0xC60];
	v6 =	vmovc v2;
	v8 =	vadd.f32 v3, v2;
	v9 =	vadd.f32 v4, v2;
	v4 =	vmovc v2;
	v3 =	vmov v2  }
.LBB2_3:
0x42: {  	p0 =	sne.s32 s30, $0x7E00;
	v38 =	vld [tilespmem:s28+$0x0];
	s31 =	sor.u32 s0, s2;
	v2 =	vadd.f32 v40, v2;
	v37 =	vmul.f32 v37, v1  }
0x43: {  	v39 =	vld [tilespmem:s31+$0xC70];
	v32 =	vadd.f32 v41, v32;
	v36 =	vmul.f32 v36, v1  }
0x44: {  	v40 =	vld [tilespmem:s31+$0x0];
	v31 =	vadd.f32 v37, v31;
	v34 =	vmul.f32 v34, v1  }
0x45: {  	v37 =	vld [tilespmem:s31+$0x10];
	v18 =	vadd.f32 v36, v18;
	v33 =	vmul.f32 v33, v1  }
0x46: {  	v36 =	vld [tilespmem:s31+$0x20];
	v6 =	vadd.f32 v34, v6;
	v34 =	vmul.f32 v35, v1  }
0x47: {  	v35 =	vld [tilespmem:s31+$0x30];
	v4 =	vadd.f32 v33, v4;
	v1 =	vmov v38  }
0x48: {  	v33 =	vld [tilespmem:s31+$0x40];
	v38 =	vmul.f32 v39, v1;
	v3 =	vadd.f32 v34, v3  }
0x49: {  	v34 =	vmul.f32 v40, v1;
	v39 =	vld [tilespmem:s31+$0x50]  }
0x4a: {  	v37 =	vmul.f32 v37, v1;
	v40 =	vld [tilespmem:s31+$0x60];
	v0 =	vadd.f32 v38, v0  }
0x4b: {  	v29 =	vadd.f32 v34, v29;
	v34 =	vmul.f32 v36, v1;
	v36 =	vld [tilespmem:s31+$0x70]  }
0x4c: {  	v30 =	vadd.f32 v37, v30;
	v35 =	vmul.f32 v35, v1;
	v37 =	vld [tilespmem:s31+$0x400]  }
0x4d: {  	v26 =	vadd.f32 v34, v26;
	v33 =	vmul.f32 v33, v1;
	v34 =	vld [tilespmem:s31+$0x410]  }
0x4e: {  	v27 =	vadd.f32 v35, v27;
	v35 =	vmul.f32 v39, v1;
	v38 =	vld [tilespmem:s31+$0x420]  }
0x4f: {  	v20 =	vadd.f32 v33, v20;
	v33 =	vmul.f32 v40, v1;
	v39 =	vld [tilespmem:s31+$0x430]  }
0x50: {  	v21 =	vadd.f32 v35, v21;
	v35 =	vmul.f32 v36, v1;
	v36 =	vld [tilespmem:s31+$0x440]  }
0x51: {  	v25 =	vadd.f32 v33, v25;
	v33 =	vmul.f32 v37, v1;
	v37 =	vld [tilespmem:s31+$0x450]  }
0x52: {  	v28 =	vadd.f32 v35, v28;
	v34 =	vmul.f32 v34, v1;
	v35 =	vld [tilespmem:s31+$0x460]  }
0x53: {  	v22 =	vadd.f32 v33, v22;
	v33 =	vmul.f32 v38, v1;
	v38 =	vld [tilespmem:s31+$0x470]  }
0x54: {  	v23 =	vadd.f32 v34, v23;
	v34 =	vmul.f32 v39, v1;
	v39 =	vld [tilespmem:s31+$0x800]  }
0x55: {  	v14 =	vadd.f32 v33, v14;
	v33 =	vmul.f32 v36, v1;
	v36 =	vld [tilespmem:s31+$0x810]  }
0x56: {  	v15 =	vadd.f32 v34, v15;
	v34 =	vmul.f32 v37, v1;
	v37 =	vld [tilespmem:s31+$0x820]  }
0x57: {  	v19 =	vadd.f32 v33, v19;
	v33 =	vmul.f32 v35, v1;
	v35 =	vld [tilespmem:s31+$0x830]  }
0x58: {  	v24 =	vadd.f32 v34, v24;
	v34 =	vmul.f32 v38, v1;
	v38 =	vld [tilespmem:s31+$0x840]  }
0x59: {  	v16 =	vadd.f32 v33, v16;
	v33 =	vmul.f32 v39, v1;
	v39 =	vld [tilespmem:s31+$0x850]  }
0x5a: {  	v17 =	vadd.f32 v34, v17;
	v34 =	vmul.f32 v36, v1;
	v36 =	vld [tilespmem:s31+$0x860]  }
0x5b: {  	v13 =	vadd.f32 v33, v13;
	v33 =	vmul.f32 v37, v1;
	v40 =	vld [tilespmem:s31+$0x870]  }
0x5c: {  	v10 =	vadd.f32 v34, v10;
	v34 =	vmul.f32 v35, v1;
	v35 =	vld [tilespmem:s31+$0xC00]  }
0x5d: {  	v11 =	vadd.f32 v33, v11;
	v33 =	vmul.f32 v38, v1;
	v38 =	vld [tilespmem:s31+$0xC10]  }
.Ltmp0:
0x5e: {  	v12 =	vadd.f32 v34, v12;
	v34 =	vmul.f32 v39, v1;
	v37 =	vld [tilespmem:s31+$0xC20];
	(pc) =	sbr.rel @p0 .LBB2_3-.Ltmp0, $4  }
0x5f: {  	v7 =	vadd.f32 v33, v7;
	v33 =	vmul.f32 v36, v1;
	v36 =	vld [tilespmem:s31+$0xC30]  }
0x60: {  	v8 =	vadd.f32 v34, v8;
	v39 =	vmul.f32 v40, v1;
	v34 =	vld [tilespmem:s31+$0xC40]  }
0x61: {  	s29 =	sadd.s32 $0x80, s29;
	s28 =	sadd.s32 $0x10, s28;
	v5 =	vadd.f32 v33, v5;
	v40 =	vmul.f32 v35, v1;
	v33 =	vld [tilespmem:s31+$0xC50]  }
0x62: {  	s2 =	sand.u32 $0x7000, s30;
	s30 =	sadd.s32 $0x200, s30;
	s0 =	sand.u32 $0x380, s29;
	v9 =	vadd.f32 v39, v9;
	v41 =	vmul.f32 v38, v1;
	v35 =	vld [tilespmem:s31+$0xC60]  }
0x63: {  	s0 =	sor.u32 s0, s2  }
0x64: {  	v39 =	vld [tilespmem:s0+$0xC70];
	_ =	sdelay $0x4  }
0x65: {  	[tilespmem:$0x1FFF0] =	vst v39;
	v39 =	vld [tilespmem:s0+$0x860];
	_ =	sdelay $0x4  }
0x66: {  	[tilespmem:$0x1FF80] =	vst v39;
	v39 =	vld [tilespmem:s0+$0x870];
	_ =	sdelay $0x1  }
0x67: {  	v38 =	vld [tilespmem:s28+$0x0]  }
0x68: {  	v42 =	vld [tilespmem:s0+$0x0]  }
0x69: {  	v43 =	vld [tilespmem:s0+$0x10]  }
0x6a: {  	[tilespmem:$0x1FF90] =	vst v39;
	v39 =	vld [tilespmem:s0+$0xC00]  }
0x6b: {  	v44 =	vld [tilespmem:s0+$0x20]  }
0x6c: {  	v45 =	vld [tilespmem:s0+$0x30]  }
0x6d: {  	v46 =	vld [tilespmem:s0+$0x40]  }
0x6e: {  	v47 =	vld [tilespmem:s0+$0x50]  }
0x6f: {  	[tilespmem:$0x1FFA0] =	vst v39;
	v39 =	vld [tilespmem:s0+$0xC10]  }
0x70: {  	v48 =	vld [tilespmem:s0+$0x60]  }
0x71: {  	v49 =	vld [tilespmem:s0+$0x70]  }
0x72: {  	v50 =	vld [tilespmem:s0+$0x400]  }
0x73: {  	v51 =	vld [tilespmem:s0+$0x410]  }
0x74: {  	[tilespmem:$0x1FFB0] =	vst v39;
	v39 =	vld [tilespmem:s0+$0xC20]  }
0x75: {  	v52 =	vld [tilespmem:s0+$0x420]  }
0x76: {  	v53 =	vld [tilespmem:s0+$0x430]  }
0x77: {  	v54 =	vld [tilespmem:s0+$0x440]  }
0x78: {  	v55 =	vld [tilespmem:s0+$0x450]  }
0x79: {  	[tilespmem:$0x1FFC0] =	vst v39;
	v39 =	vld [tilespmem:s0+$0xC30]  }
0x7a: {  	v56 =	vld [tilespmem:s0+$0x460]  }
0x7b: {  	v57 =	vld [tilespmem:s0+$0x470]  }
0x7c: {  	v58 =	vld [tilespmem:s0+$0x800]  }
0x7d: {  	v59 =	vld [tilespmem:s0+$0x810]  }
0x7e: {  	[tilespmem:$0x1FFD0] =	vst v39;
	v39 =	vld [tilespmem:s0+$0xC40]  }
0x7f: {  	v60 =	vld [tilespmem:s0+$0x820]  }
0x80: {  	v61 =	vld [tilespmem:s0+$0x830];
	v42 =	vmul.f32 v42, v38  }
0x81: {  	v62 =	vld [tilespmem:s0+$0x840]  }
0x82: {  	v63 =	vld [tilespmem:s0+$0x850];
	v29 =	vadd.f32 v42, v29  }
0x83: {  	v42 =	vmul.f32 v44, v38;
	v44 =	vld [tilespmem:s0+$0xC50];
	[tilespmem:$0x1FFE0] =	vst v39  }
0x84: {  	v39 =	vld [tilespmem:s0+$0xC60];
	[tilespmem:$0x10480] =	vst v29;
	v29 =	vmul.f32 v46, v38;
	_ =	sdelay $0x1  }
0x85: {  	v20 =	vadd.f32 v29, v20;
	_ =	sdelay $0x1  }
0x86: {  	[tilespmem:$0x104C0] =	vst v20;
	v20 =	vmul.f32 v50, v38  }
0x87: {  	v43 =	vmul.f32 v43, v38  }
0x88: {  	v20 =	vadd.f32 v20, v22;
	v22 =	vmul.f32 v52, v38  }
0x89: {  	v30 =	vadd.f32 v43, v30  }
0x8a: {  	v14 =	vadd.f32 v22, v14  }
0x8b: {  	[tilespmem:$0x10490] =	vst v30;
	v30 =	vmul.f32 v47, v38  }
0x8c: {  	[tilespmem:$0x10520] =	vst v14;
	v14 =	vmul.f32 v56, v38  }
0x8d: {  	v21 =	vadd.f32 v30, v21  }
0x8e: {  	v14 =	vadd.f32 v14, v16  }
0x8f: {  	[tilespmem:$0x104D0] =	vst v21;
	v21 =	vmul.f32 v51, v38  }
0x90: {  	[tilespmem:$0x10560] =	vst v14;
	v14 =	vmul.f32 v60, v38  }
0x91: {  	v21 =	vadd.f32 v21, v23  }
0x92: {  	v23 =	vmul.f32 v53, v38;
	v11 =	vadd.f32 v14, v11;
	v14 =	vmul.f32 v62, v38;
	_ =	sdelay $0x1  }
0x93: {  	v15 =	vadd.f32 v23, v15;
	v7 =	vadd.f32 v14, v7;
	v14 =	vld [tilespmem:$0x1FF80];
	_ =	sdelay $0x1  }
0x94: {  	[tilespmem:$0x10530] =	vst v15;
	v15 =	vmul.f32 v57, v38;
	_ =	sdelay $0x1  }
0x95: {  	v15 =	vadd.f32 v15, v17;
	v17 =	vmul.f32 v59, v38  }
0x96: {  	v14 =	vmul.f32 v14, v38  }
0x97: {  	v10 =	vadd.f32 v17, v10  }
0x98: {  	v5 =	vadd.f32 v14, v5;
	v14 =	vld [tilespmem:$0x1FFA0]  }
0x99: {  	[tilespmem:$0x10590] =	vst v10;
	v10 =	vmul.f32 v36, v1  }
0x9a: {  	v43 =	vmul.f32 v45, v38;
	v26 =	vadd.f32 v42, v26;
	v16 =	vmul.f32 v58, v38;
	[tilespmem:$0x10570] =	vst v15  }
0x9b: {  	v2 =	vadd.f32 v40, v2;
	v15 =	vmul.f32 v37, v1;
	[tilespmem:$0x105C0] =	vst v7;
	v7 =	vadd.f32 v10, v18;
	v10 =	vld [tilespmem:$0x1FFB0]  }
0x9c: {  	v27 =	vadd.f32 v43, v27;
	[tilespmem:$0x104A0] =	vst v26;
	v13 =	vadd.f32 v16, v13;
	v16 =	vmul.f32 v61, v38  }
0x9d: {  	v26 =	vmul.f32 v48, v38;
	[tilespmem:$0x105A0] =	vst v11;
	v11 =	vadd.f32 v15, v31;
	v15 =	vld [tilespmem:$0x1FF90];
	v14 =	vmul.f32 v14, v38  }
0x9e: {  	[tilespmem:$0x104B0] =	vst v27;
	v12 =	vadd.f32 v16, v12  }
0x9f: {  	v25 =	vadd.f32 v26, v25;
	[tilespmem:$0x10580] =	vst v13;
	v2 =	vadd.f32 v14, v2;
	v14 =	vld [tilespmem:$0x1FFC0]  }
0xa0: {  	v13 =	vadd.f32 v41, v32;
	[tilespmem:$0x105B0] =	vst v12;
	v12 =	vmul.f32 v34, v1;
	v10 =	vmul.f32 v10, v38  }
0xa1: {  	[tilespmem:$0x104E0] =	vst v25  }
0xa2: {  	v15 =	vmul.f32 v15, v38;
	[tilespmem:$0x105E0] =	vst v5;
	v5 =	vadd.f32 v12, v6;
	v6 =	vadd.f32 v10, v13;
	v10 =	vld [tilespmem:$0x1FFD0]  }
0xa3: {  	v27 =	vmul.f32 v49, v38;
	[tilespmem:$0x10500] =	vst v20;
	v16 =	vmul.f32 v63, v38  }
0xa4: {  	[tilespmem:$0x10510] =	vst v21;
	v9 =	vadd.f32 v15, v9;
	v14 =	vmul.f32 v14, v38  }
0xa5: {  	v26 =	vadd.f32 v27, v28;
	v8 =	vadd.f32 v16, v8;
	[tilespmem:$0x10610] =	vst v6;
	v6 =	vld [tilespmem:$0x1FFF0]  }
0xa6: {  	v20 =	vmul.f32 v54, v38;
	v21 =	vmul.f32 v55, v38;
	[tilespmem:$0x105F0] =	vst v9;
	v9 =	vadd.f32 v14, v11;
	v11 =	vld [tilespmem:$0x1FFE0]  }
0xa7: {  	[tilespmem:$0x105D0] =	vst v8;
	v8 =	vmul.f32 v33, v1;
	v10 =	vmul.f32 v10, v38  }
0xa8: {  	[tilespmem:$0x104F0] =	vst v26;
	v19 =	vadd.f32 v20, v19;
	v20 =	vadd.f32 v21, v24  }
0xa9: {  	[tilespmem:$0x10600] =	vst v2;
	v2 =	vadd.f32 v8, v4;
	v4 =	vadd.f32 v10, v7;
	v7 =	vmul.f32 v44, v38  }
0xaa: {  	[tilespmem:$0x10540] =	vst v19;
	v6 =	vmul.f32 v6, v38  }
0xab: {  	[tilespmem:$0x10550] =	vst v20;
	v1 =	vmul.f32 v35, v1;
	v2 =	vadd.f32 v7, v2;
	v11 =	vmul.f32 v11, v38  }
0xac: {  	[tilespmem:$0x10630] =	vst v4;
	v0 =	vadd.f32 v6, v0  }
0xad: {  	v1 =	vadd.f32 v1, v3;
	[tilespmem:$0x10650] =	vst v2;
	v3 =	vadd.f32 v11, v5;
	v5 =	vmul.f32 v39, v38  }
0xae: {  	[tilespmem:$0x10670] =	vst v0  }
0xaf: {  	s31 =	sadd.s32 s5, s26;
	[tilespmem:$0x10620] =	vst v9;
	v1 =	vadd.f32 v5, v1  }
0xb0: {  	s0 =	sshrl.u32 s31, $0x3;
	[tilespmem:$0x10640] =	vst v3  }
0xb1: {  	p0 =	seq.s32 s24, $0x12;
	s0 =	sadd.s32 s7, s0;
	[tilespmem:$0x10660] =	vst v1  }
0xb2: {  	[hbm4b:s0+s4] =	stream.linear.scatter [tilespmem:s18], [sflag:$0x3], $0x200, $0x38;
	[tilespmem:$0x10880] =	vst v63  }
0xb3: {  	p1 =	seq.s32 @!p0 s24, $0x0;
	_ =	swait.ge [sflag:s19], $0x8000  }
0xb4: {  	s2 =	simm.s32 @!p0 $0x1000;
	s28 =	simm.s32 @!p0 $0x0;
	[sflag:s19] =	ssyncset.done $0x0  }
0xb5: {  	s0 =	sadd.s32 @!p0 s26, s9;
	s26 =	simm.s32 @!p0 $0x7A1400;
	[sflag:s19] =	ssyncadd.s32 $0xFFFF8000  }
0xb6: {  	[tilespmem:s28], [sflag:$0x1] =	stream.strided.gather @!p0 [hbm4b:s0+s2], $0x8000, s26, s2, $0x38;
	[tilespmem:$0x10880] =	vst v63  }
0xb7: {  	p0 =	por p0, !p1  }
0xb8: {  	_ =	swait.ge @p0 [sflag:s22], $0x200  }
0xb9: {  	[sflag:s22] =	ssyncset.done @p0 $0x0  }
0xba: {  	s2 =	simm.s32 $0x0;
	[sflag:s22] =	ssyncadd.s32 @p0 $0xFFFFFE00  }
0xbb: {  	s26 =	simm.s32 $0x10000;
	s30 =	sand.u32 $0x7000, s2;
	s0 =	sand.u32 $0x380, s2;
	v2 =	vld [tilespmem:$0x10400]  }
0xbc: {  	s30 =	sor.u32 s0, s30;
	v1 =	vld [tilespmem:s26+$0x0]  }
0xbd: {  	v0 =	vld [tilespmem:s30+$0x8C70]  }
0xbe: {  	v3 =	vld [tilespmem:s30+$0x8000]  }
0xbf: {  	v4 =	vld [tilespmem:s30+$0x8010]  }
0xc0: {  	v5 =	vld [tilespmem:s30+$0x8020]  }
0xc1: {  	v6 =	vld [tilespmem:s30+$0x8030]  }
0xc2: {  	v7 =	vld [tilespmem:s30+$0x8040]  }
0xc3: {  	v8 =	vld [tilespmem:s30+$0x8050]  }
0xc4: {  	v9 =	vld [tilespmem:s30+$0x8060]  }
0xc5: {  	v10 =	vld [tilespmem:s30+$0x8070]  }
0xc6: {  	v11 =	vld [tilespmem:s30+$0x8400]  }
0xc7: {  	v12 =	vld [tilespmem:s30+$0x8410]  }
0xc8: {  	v13 =	vld [tilespmem:s30+$0x8420]  }
0xc9: {  	v14 =	vld [tilespmem:s30+$0x8430]  }
0xca: {  	v15 =	vld [tilespmem:s30+$0x8440];
	v3 =	vmul.f32 v3, v1  }
0xcb: {  	v16 =	vld [tilespmem:s30+$0x8450];
	v4 =	vmul.f32 v4, v1  }
0xcc: {  	v17 =	vld [tilespmem:s30+$0x8460];
	v0 =	vmul.f32 v0, v1;
	v29 =	vadd.f32 v3, v2;
	v3 =	vmul.f32 v6, v1  }
0xcd: {  	v31 =	vld [tilespmem:s30+$0x8870];
	v5 =	vmul.f32 v5, v1;
	v30 =	vadd.f32 v4, v2;
	v4 =	vmul.f32 v8, v1  }
0xce: {  	v6 =	vmul.f32 v7, v1;
	v7 =	vld [tilespmem:s30+$0x8470];
	v27 =	vadd.f32 v3, v2;
	v3 =	vmul.f32 v9, v1  }
0xcf: {  	v26 =	vadd.f32 v5, v2;
	v5 =	vld [tilespmem:s30+$0x8800];
	v21 =	vadd.f32 v4, v2;
	v4 =	vmul.f32 v10, v1  }
0xd0: {  	v20 =	vadd.f32 v6, v2;
	v6 =	vld [tilespmem:s30+$0x8810];
	v25 =	vadd.f32 v3, v2;
	v3 =	vmul.f32 v12, v1  }
0xd1: {  	v8 =	vmul.f32 v11, v1;
	v9 =	vld [tilespmem:s30+$0x8820];
	v28 =	vadd.f32 v4, v2;
	v4 =	vmul.f32 v14, v1  }
0xd2: {  	v11 =	vld [tilespmem:s30+$0x8830];
	v10 =	vmul.f32 v13, v1;
	v23 =	vadd.f32 v3, v2;
	v3 =	vmul.f32 v15, v1  }
0xd3: {  	v22 =	vadd.f32 v8, v2;
	v8 =	vld [tilespmem:s30+$0x8840];
	v15 =	vadd.f32 v4, v2;
	v4 =	vmul.f32 v16, v1  }
0xd4: {  	v13 =	vld [tilespmem:s30+$0x8850];
	v14 =	vadd.f32 v10, v2;
	v18 =	vadd.f32 v3, v2;
	v3 =	vmul.f32 v7, v1  }
0xd5: {  	v19 =	vld [tilespmem:s30+$0x8860];
	v10 =	vmul.f32 v17, v1;
	v24 =	vadd.f32 v4, v2;
	v4 =	vmul.f32 v6, v1  }
0xd6: {  	v63 =	vld [tilespmem:s30+$0x8C10];
	v5 =	vmul.f32 v5, v1;
	v17 =	vadd.f32 v3, v2;
	v3 =	vmul.f32 v9, v1  }
0xd7: {  	v16 =	vadd.f32 v10, v2;
	v6 =	vld [tilespmem:s30+$0x8C00];
	v10 =	vadd.f32 v4, v2;
	v4 =	vmul.f32 v11, v1  }
0xd8: {  	v12 =	vadd.f32 v5, v2;
	v5 =	vmul.f32 v8, v1;
	v11 =	vadd.f32 v3, v2  }
0xd9: {  	v37 =	vld [tilespmem:s30+$0x8C20];
	v3 =	vmul.f32 v13, v1;
	v13 =	vadd.f32 v4, v2;
	v4 =	vmul.f32 v31, v1  }
0xda: {  	v36 =	vld [tilespmem:s30+$0x8C30];
	v9 =	vmul.f32 v19, v1  }
0xdb: {  	s29 =	simm.s32 $0x400;
	v34 =	vld [tilespmem:s30+$0x8C40];
	v41 =	vmul.f32 v63, v1;
	v0 =	vadd.f32 v0, v2;
	v7 =	vadd.f32 v5, v2  }
0xdc: {  	s24 =	sadd.s32 $0x1, s24;
	s31 =	simm.s32 $0x200;
	s28 =	simm.s32 $0x80;
	v33 =	vld [tilespmem:s30+$0x8C50];
	v32 =	vmovc v2;
	v19 =	vmovc v2;
	v5 =	vadd.f32 v9, v2;
	v31 =	vmov v2;
	v40 =	vmul.f32 v6, v1  }
0xdd: {  	s2 =	sand.u32 $0x7000, s31;
	s0 =	sand.u32 $0x380, s28;
	s26 =	simm.s32 $0x10010;
	v35 =	vld [tilespmem:s30+$0x8C60];
	v6 =	vmovc v2;
	v8 =	vadd.f32 v3, v2;
	v9 =	vadd.f32 v4, v2;
	v4 =	vmovc v2;
	v3 =	vmov v2  }
.LBB2_5:
0xde: {  	p0 =	sne.s32 s29, $0x7E00;
	v38 =	vld [tilespmem:s26+$0x0];
	s30 =	sor.u32 s0, s2;
	v2 =	vadd.f32 v40, v2;
	v37 =	vmul.f32 v37, v1  }
0xdf: {  	v39 =	vld [tilespmem:s30+$0x8C70];
	v32 =	vadd.f32 v41, v32;
	v36 =	vmul.f32 v36, v1  }
0xe0: {  	v40 =	vld [tilespmem:s30+$0x8000];
	v31 =	vadd.f32 v37, v31;
	v34 =	vmul.f32 v34, v1  }
0xe1: {  	v37 =	vld [tilespmem:s30+$0x8010];
	v19 =	vadd.f32 v36, v19;
	v33 =	vmul.f32 v33, v1  }
0xe2: {  	v36 =	vld [tilespmem:s30+$0x8020];
	v6 =	vadd.f32 v34, v6;
	v34 =	vmul.f32 v35, v1  }
0xe3: {  	v35 =	vld [tilespmem:s30+$0x8030];
	v4 =	vadd.f32 v33, v4;
	v1 =	vmov v38  }
0xe4: {  	v33 =	vld [tilespmem:s30+$0x8040];
	v38 =	vmul.f32 v39, v1;
	v3 =	vadd.f32 v34, v3  }
0xe5: {  	v34 =	vmul.f32 v40, v1;
	v39 =	vld [tilespmem:s30+$0x8050]  }
0xe6: {  	v37 =	vmul.f32 v37, v1;
	v40 =	vld [tilespmem:s30+$0x8060];
	v0 =	vadd.f32 v38, v0  }
0xe7: {  	v29 =	vadd.f32 v34, v29;
	v34 =	vmul.f32 v36, v1;
	v36 =	vld [tilespmem:s30+$0x8070]  }
0xe8: {  	v30 =	vadd.f32 v37, v30;
	v35 =	vmul.f32 v35, v1;
	v37 =	vld [tilespmem:s30+$0x8400]  }
0xe9: {  	v26 =	vadd.f32 v34, v26;
	v33 =	vmul.f32 v33, v1;
	v34 =	vld [tilespmem:s30+$0x8410]  }
0xea: {  	v27 =	vadd.f32 v35, v27;
	v35 =	vmul.f32 v39, v1;
	v38 =	vld [tilespmem:s30+$0x8420]  }
0xeb: {  	v20 =	vadd.f32 v33, v20;
	v33 =	vmul.f32 v40, v1;
	v39 =	vld [tilespmem:s30+$0x8430]  }
0xec: {  	v21 =	vadd.f32 v35, v21;
	v35 =	vmul.f32 v36, v1;
	v36 =	vld [tilespmem:s30+$0x8440]  }
0xed: {  	v25 =	vadd.f32 v33, v25;
	v33 =	vmul.f32 v37, v1;
	v37 =	vld [tilespmem:s30+$0x8450]  }
0xee: {  	v28 =	vadd.f32 v35, v28;
	v34 =	vmul.f32 v34, v1;
	v35 =	vld [tilespmem:s30+$0x8460]  }
0xef: {  	v22 =	vadd.f32 v33, v22;
	v33 =	vmul.f32 v38, v1;
	v38 =	vld [tilespmem:s30+$0x8470]  }
0xf0: {  	v23 =	vadd.f32 v34, v23;
	v34 =	vmul.f32 v39, v1;
	v39 =	vld [tilespmem:s30+$0x8800]  }
0xf1: {  	v14 =	vadd.f32 v33, v14;
	v33 =	vmul.f32 v36, v1;
	v36 =	vld [tilespmem:s30+$0x8810]  }
0xf2: {  	v15 =	vadd.f32 v34, v15;
	v34 =	vmul.f32 v37, v1;
	v37 =	vld [tilespmem:s30+$0x8820]  }
0xf3: {  	v18 =	vadd.f32 v33, v18;
	v33 =	vmul.f32 v35, v1;
	v35 =	vld [tilespmem:s30+$0x8830]  }
0xf4: {  	v24 =	vadd.f32 v34, v24;
	v34 =	vmul.f32 v38, v1;
	v38 =	vld [tilespmem:s30+$0x8840]  }
0xf5: {  	v16 =	vadd.f32 v33, v16;
	v33 =	vmul.f32 v39, v1;
	v39 =	vld [tilespmem:s30+$0x8850]  }
0xf6: {  	v17 =	vadd.f32 v34, v17;
	v34 =	vmul.f32 v36, v1;
	v36 =	vld [tilespmem:s30+$0x8860]  }
0xf7: {  	v12 =	vadd.f32 v33, v12;
	v33 =	vmul.f32 v37, v1;
	v40 =	vld [tilespmem:s30+$0x8870]  }
0xf8: {  	v10 =	vadd.f32 v34, v10;
	v34 =	vmul.f32 v35, v1;
	v35 =	vld [tilespmem:s30+$0x8C00]  }
0xf9: {  	v11 =	vadd.f32 v33, v11;
	v33 =	vmul.f32 v38, v1;
	v38 =	vld [tilespmem:s30+$0x8C10]  }
.Ltmp1:
0xfa: {  	v13 =	vadd.f32 v34, v13;
	v34 =	vmul.f32 v39, v1;
	v37 =	vld [tilespmem:s30+$0x8C20];
	(pc) =	sbr.rel @p0 .LBB2_5-.Ltmp1, $4  }
0xfb: {  	v7 =	vadd.f32 v33, v7;
	v33 =	vmul.f32 v36, v1;
	v36 =	vld [tilespmem:s30+$0x8C30]  }
0xfc: {  	v8 =	vadd.f32 v34, v8;
	v39 =	vmul.f32 v40, v1;
	v34 =	vld [tilespmem:s30+$0x8C40]  }
0xfd: {  	s28 =	sadd.s32 $0x80, s28;
	s26 =	sadd.s32 $0x10, s26;
	v5 =	vadd.f32 v33, v5;
	v40 =	vmul.f32 v35, v1;
	v33 =	vld [tilespmem:s30+$0x8C50]  }
0xfe: {  	s2 =	sand.u32 $0x7000, s29;
	s29 =	sadd.s32 $0x200, s29;
	s0 =	sand.u32 $0x380, s28;
	v9 =	vadd.f32 v39, v9;
	v41 =	vmul.f32 v38, v1;
	v35 =	vld [tilespmem:s30+$0x8C60]  }
0xff: {  	s0 =	sor.u32 s0, s2  }
0x100: {  	v39 =	vld [tilespmem:s0+$0x8C70];
	_ =	sdelay $0x4  }
0x101: {  	[tilespmem:$0x1FF70] =	vst v39;
	v39 =	vld [tilespmem:s0+$0x8860];
	_ =	sdelay $0x4  }
0x102: {  	[tilespmem:$0x1FF00] =	vst v39;
	v39 =	vld [tilespmem:s0+$0x8870];
	_ =	sdelay $0x1  }
0x103: {  	v38 =	vld [tilespmem:s26+$0x0]  }
0x104: {  	v42 =	vld [tilespmem:s0+$0x8000]  }
0x105: {  	v43 =	vld [tilespmem:s0+$0x8010]  }
0x106: {  	[tilespmem:$0x1FF10] =	vst v39;
	v39 =	vld [tilespmem:s0+$0x8C00]  }
0x107: {  	v44 =	vld [tilespmem:s0+$0x8020]  }
0x108: {  	v45 =	vld [tilespmem:s0+$0x8030]  }
0x109: {  	v46 =	vld [tilespmem:s0+$0x8040]  }
0x10a: {  	v47 =	vld [tilespmem:s0+$0x8050]  }
0x10b: {  	[tilespmem:$0x1FF20] =	vst v39;
	v39 =	vld [tilespmem:s0+$0x8C10]  }
0x10c: {  	v48 =	vld [tilespmem:s0+$0x8060]  }
0x10d: {  	v49 =	vld [tilespmem:s0+$0x8070]  }
0x10e: {  	v50 =	vld [tilespmem:s0+$0x8400]  }
0x10f: {  	v51 =	vld [tilespmem:s0+$0x8410]  }
0x110: {  	[tilespmem:$0x1FF30] =	vst v39;
	v39 =	vld [tilespmem:s0+$0x8C20]  }
0x111: {  	v52 =	vld [tilespmem:s0+$0x8420]  }
0x112: {  	v53 =	vld [tilespmem:s0+$0x8430]  }
0x113: {  	v54 =	vld [tilespmem:s0+$0x8440]  }
0x114: {  	v55 =	vld [tilespmem:s0+$0x8450]  }
0x115: {  	[tilespmem:$0x1FF40] =	vst v39;
	v39 =	vld [tilespmem:s0+$0x8C30]  }
0x116: {  	v56 =	vld [tilespmem:s0+$0x8460]  }
0x117: {  	v57 =	vld [tilespmem:s0+$0x8470]  }
0x118: {  	v58 =	vld [tilespmem:s0+$0x8800]  }
0x119: {  	v59 =	vld [tilespmem:s0+$0x8810]  }
0x11a: {  	[tilespmem:$0x1FF50] =	vst v39;
	v39 =	vld [tilespmem:s0+$0x8C40]  }
0x11b: {  	v60 =	vld [tilespmem:s0+$0x8820];
	v42 =	vmul.f32 v42, v38  }
0x11c: {  	v61 =	vld [tilespmem:s0+$0x8830]  }
0x11d: {  	v62 =	vld [tilespmem:s0+$0x8840];
	v43 =	vmul.f32 v43, v38;
	v29 =	vadd.f32 v42, v29;
	v42 =	vmul.f32 v44, v38  }
0x11e: {  	v63 =	vld [tilespmem:s0+$0x8850]  }
0x11f: {  	v44 =	vld [tilespmem:s0+$0x8C50];
	v30 =	vadd.f32 v43, v30;
	v26 =	vadd.f32 v42, v26;
	v42 =	vmul.f32 v46, v38;
	[tilespmem:$0x1FF60] =	vst v39  }
0x120: {  	v43 =	vmul.f32 v47, v38;
	v39 =	vmul.f32 v45, v38;
	v45 =	vld [tilespmem:s0+$0x8C60];
	[tilespmem:$0x10680] =	vst v29  }
0x121: {  	v46 =	vmul.f32 v48, v38;
	v20 =	vadd.f32 v42, v20;
	[tilespmem:$0x10690] =	vst v30  }
0x122: {  	v47 =	vmul.f32 v49, v38;
	v21 =	vadd.f32 v43, v21;
	v48 =	vmul.f32 v50, v38;
	[tilespmem:$0x106A0] =	vst v26  }
0x123: {  	v50 =	vmul.f32 v51, v38;
	v51 =	vmul.f32 v52, v38;
	v25 =	vadd.f32 v46, v25;
	[tilespmem:$0x106C0] =	vst v20  }
0x124: {  	v49 =	vadd.f32 v47, v28;
	v52 =	vmul.f32 v53, v38;
	[tilespmem:$0x106D0] =	vst v21  }
0x125: {  	v53 =	vmul.f32 v54, v38;
	v14 =	vadd.f32 v51, v14;
	[tilespmem:$0x106E0] =	vst v25  }
0x126: {  	v54 =	vmul.f32 v55, v38;
	v15 =	vadd.f32 v52, v15;
	[tilespmem:$0x106F0] =	vst v49  }
0x127: {  	v28 =	vmul.f32 v61, v38;
	v18 =	vadd.f32 v53, v18;
	[tilespmem:$0x10720] =	vst v14  }
0x128: {  	v55 =	vmul.f32 v56, v38;
	v56 =	vadd.f32 v54, v24;
	[tilespmem:$0x10730] =	vst v15  }
0x129: {  	v13 =	vadd.f32 v28, v13;
	[tilespmem:$0x10740] =	vst v18  }
0x12a: {  	v20 =	vadd.f32 v48, v22;
	[tilespmem:$0x10750] =	vst v56  }
0x12b: {  	v24 =	vmul.f32 v57, v38;
	v21 =	vadd.f32 v50, v23;
	[tilespmem:$0x107B0] =	vst v13  }
0x12c: {  	v43 =	vld [tilespmem:$0x1FF10];
	v14 =	vadd.f32 v55, v16;
	[tilespmem:$0x10700] =	vst v20  }
0x12d: {  	v25 =	vmul.f32 v58, v38;
	v15 =	vadd.f32 v24, v17;
	v26 =	vmul.f32 v59, v38;
	[tilespmem:$0x10710] =	vst v21  }
0x12e: {  	v29 =	vmul.f32 v37, v1;
	v37 =	vadd.f32 v41, v32;
	v41 =	vld [tilespmem:$0x1FF00];
	v27 =	vadd.f32 v39, v27;
	[tilespmem:$0x10760] =	vst v14  }
0x12f: {  	v30 =	vmul.f32 v62, v38;
	v49 =	vld [tilespmem:$0x1FF30];
	v12 =	vadd.f32 v25, v12;
	[tilespmem:$0x10770] =	vst v15  }
0x130: {  	v2 =	vadd.f32 v40, v2;
	v10 =	vadd.f32 v26, v10;
	v39 =	vmul.f32 v63, v38;
	[tilespmem:$0x106B0] =	vst v27  }
0x131: {  	v40 =	vmul.f32 v36, v1;
	v47 =	vld [tilespmem:$0x1FF20];
	v7 =	vadd.f32 v30, v7;
	v15 =	vmul.f32 v43, v38;
	[tilespmem:$0x10780] =	vst v12  }
0x132: {  	v46 =	vmul.f32 v34, v1;
	v54 =	vld [tilespmem:$0x1FF50];
	v27 =	vmul.f32 v60, v38;
	[tilespmem:$0x10790] =	vst v10;
	v8 =	vadd.f32 v39, v8  }
0x133: {  	v55 =	vmul.f32 v35, v1;
	v63 =	vld [tilespmem:$0x1FF70];
	[tilespmem:$0x107C0] =	vst v7;
	v9 =	vadd.f32 v15, v9;
	v14 =	vmul.f32 v41, v38  }
0x134: {  	v50 =	vmul.f32 v33, v1;
	v57 =	vld [tilespmem:$0x1FF60];
	v10 =	vmul.f32 v49, v38;
	v11 =	vadd.f32 v27, v11;
	[tilespmem:$0x107D0] =	vst v8  }
0x135: {  	v51 =	vld [tilespmem:$0x1FF40];
	v1 =	vadd.f32 v55, v3;
	v62 =	vmul.f32 v45, v38;
	[tilespmem:$0x107F0] =	vst v9;
	v5 =	vadd.f32 v14, v5  }
0x136: {  	v14 =	vmul.f32 v47, v38;
	v53 =	vadd.f32 v10, v37;
	[tilespmem:$0x107A0] =	vst v11  }
0x137: {  	v48 =	vadd.f32 v40, v19;
	v10 =	vmul.f32 v54, v38;
	v1 =	vadd.f32 v62, v1;
	[tilespmem:$0x107E0] =	vst v5  }
0x138: {  	v52 =	vadd.f32 v46, v6;
	v6 =	vmul.f32 v63, v38;
	v2 =	vadd.f32 v14, v2;
	[tilespmem:$0x10810] =	vst v53  }
0x139: {  	v11 =	vmul.f32 v57, v38;
	v59 =	vadd.f32 v10, v48;
	[tilespmem:$0x10860] =	vst v1  }
0x13a: {  	v42 =	vadd.f32 v29, v31;
	v14 =	vmul.f32 v51, v38;
	v0 =	vadd.f32 v6, v0;
	[tilespmem:$0x10800] =	vst v2  }
0x13b: {  	p0 =	sne.s32 s24, $0x13;
	v58 =	vadd.f32 v50, v4;
	v60 =	vmul.f32 v44, v38;
	v61 =	vadd.f32 v11, v52;
	[tilespmem:$0x10830] =	vst v59  }
.Ltmp2:
0x13c: {  	v56 =	vadd.f32 v14, v42;
	[tilespmem:$0x10870] =	vst v0;
	(pc) =	sbr.rel @p0 .LBB2_2-.Ltmp2, $4  }
0x13d: {  	v2 =	vadd.f32 v60, v58;
	[tilespmem:$0x10840] =	vst v61  }
0x13e: {  	s31 =	sshrl.u32 s25, $0x3;
	[tilespmem:$0x10820] =	vst v56  }
0x13f: {  	s0 =	sadd.s32 s7, s31;
	[tilespmem:$0x10850] =	vst v2  }
0x140: {  	[hbm4b:s0+s4] =	stream.linear.scatter [tilespmem:s20], [sflag:$0x4], $0x200, $0x38;
	[tilespmem:$0x10880] =	vst v63  }
0x141: {  	s23 =	sadd.s32 $0x1, s23  }
0x142: {  	_ =	swait.ge [sflag:s21], $0x200;
	p0 =	sne.s32 s23, s10  }
.Ltmp3:
0x143: {  	[sflag:s21] =	ssyncset.done $0x0;
	(pc) =	sbr.rel @p0 .LBB2_1-.Ltmp3, $4  }
0x144: {  	[sflag:s21] =	ssyncadd.s32 $0xFFFFFE00  }
0x145: {  	_ =	swait.ge [sflag:s22], $0x200  }
0x146: {  	[sflag:s22] =	ssyncset.done $0x0  }
0x147: {  	[sflag:s22] =	ssyncadd.s32 $0xFFFFFE00  }
0x148: {  	_ =	sfence.sel $0x180000  }
0x149: {  	[bflag:$0x0] =	sbarrier.arrive $0xFFFF  }
0x14a: {  	_ =	strace $0x90000047  }
0x14b: {  	s0 =	stileid.u32;
	[bflag:$0x2] =	sbarrier.arrive $0xFFFF  }
0x14c: {  	p0 =	sne.s32 s0, $0x0;
	s0 =	rddreg [dreg:$0x3]  }
0x14d: {  	s0 =	sadd.s32 @!p0 $0x100000, s0  }
0x14e: {  	[sflag:s0] =	ssyncadd.tile.s32 @!p0 $0x1;
	_ =	shalt  }
.Lfunc_end2:
_tile_overlayer_lowered:
.L_overlay_start_2:
0x14f: {  	(tag) =	ssettag $0x2  }
0x150: {  	s0 =	rddreg [dreg:$0x0];
	s2 =	stileid.u32  }
0x151: {  	s1 =	rddreg [dreg:$0x1];
	p0 =	sne.s32 s2, $0x0  }
0x152: {  	s3 =	rddreg [dreg:$0x2];
	[bflag:$0x3] =	sbarrier.arrive $0xFFFF;
	s2 =	simm.s32 @!p0 $0x1C05  }
0x153: {  	[timem:s3], [sflag:s2] =	dma.local @!p0 [hbm:s0], s1  }
0x154: {  	s0 =	simm.s32 @!p0 $0x5  }
0x155: {  	_ =	swait.ge @!p0 [sflag:s0], s1  }
0x156: {  	s1 =	ssub.s32 @!p0 $0x0, s1;
	[sflag:s0] =	ssyncset.done @!p0 $0x0  }
0x157: {  	[sflag:s0] =	ssyncadd.s32 @!p0 s1  }
0x158: {  	[bflag:$0x3] =	sbarrier.arrive $0xFFFF  }
0x159: {  	_ =	shalt  }

// kernel: kernel.8.cloned.1.call-start
scs
__scs_entry_jumppad:
0x0: {  	(pc) =	sbr.rel $0x88, $3  }
0x1: {  	(tag) =	ssettag $0x0;
	lr =	simm.s32 $0x1  }
0x2: {  	[smem:$0x3F9D] =	sst lr;
	_ =	strace $0xD0000000  }
0x3: {  	_ = 	snop  }
0x4: {  	_ = 	snop  }
0x5: {  	_ = 	snop  }
0x6: {  	_ = 	snop  }
0x7: {  	_ = 	snop  }
__scs_overlays_trampoline_lowered:
0x8: {  	[smem:$0x3FAC] =	sst s0  }
0x9: {  	[smem:$0x3FAD] =	sst s1  }
0xa: {  	[smem:$0x3FAE] =	sst s2  }
0xb: {  	[smem:$0x3FAF] =	sst s3  }
0xc: {  	[smem:$0x3FB0] =	sst s4  }
0xd: {  	[smem:$0x3FB1] =	sst s5  }
0xe: {  	[smem:$0x3FB2] =	sst s6  }
0xf: {  	[smem:$0x3FB3] =	sst s7  }
0x10: {  	[smem:$0x3FB4] =	sst s8  }
0x11: {  	[smem:$0x3FB5] =	sst s9;
	s0 =	simm.s32 @!p0 $0x0  }
0x12: {  	s1 =	sld [smem:$0x3F9B];
	s0 =	simm.s32 @p0 $0x1  }
0x13: {  	[smem:$0x3FB6] =	sst s0;
	s0 =	simm.s32 @!p1 $0x0  }
0x14: {  	s2 =	sld [smem:$0x3F9A];
	s0 =	simm.s32 @p1 $0x1  }
0x15: {  	[smem:$0x3FB7] =	sst s0;
	s0 =	simm.s32 @!p2 $0x0  }
0x16: {  	s3 =	sld [smem:$0x3FDB];
	s0 =	simm.s32 @p2 $0x1  }
0x17: {  	s4 =	simm.s32 $0x1BF5;
	[smem:$0x3FB9] =	sst s0  }
0x18: {  	s0 =	sld [smem:$0x3F9C];
	_ =	swait.ge [sflag:s4], $0x0  }
0x19: {  	s7 =	sld [smem:$0x3F9D]  }
0x1a: {  	s8 =	sadd.s32 $0xFFFFE003, lr  }
0x1b: {  	s9 =	sadd.s32 $0xFFFFFEF7, lr;
	s5 =	simm.s32 $0xFFFFFFFF;
	p2 =	slt.u32 s8, $0xFFFFF086  }
0x1c: {  	p1 =	slt.u32 s9, $0xF7A;
	s5 =	simm.s32 @!p2 $0x0  }
0x1d: {  	s5 =	simm.s32 @p1 $0x1;
	p0 =	seq.s32 s7, s2  }
0x1e: {  	s7 =	smul.u32 @!p0 $0xF7A, s2;
	p2 =	seq.s32 @!p0 s5, $0x0  }
0x1f: {  	s9 =	smul.u32 $0xF7A, s1;
	s8 =	simm.s32 @!p0 $0x1BF5;
	p2 =	por !p2, p0  }
0x20: {  	[sflag:s8] =	ssyncset.s32 @!p0 $0xFFFFF086;
	s6 =	sadd.s32 @!p0 s3, s7;
	s7 =	simm.s32 @!p0 $0x108  }
0x21: {  	s3 =	sadd.s32 s3, s9;
	s6 =	sadd.s32 @!p0 $0x88, s6;
	s7 =	simm.s32 @p2 $0x1082  }
0x22: {  	[simem:s7], [sflag:s8] =	dma.local @!p0 [hbm:s6], $0xF7A  }
0x23: {  	s9 =	sor.u32 $0xD0000000, s2;
	s6 =	simm.s32 $0x108;
	_ =	swait.ge @!p0 [sflag:s8], $0x0  }
0x24: {  	s3 =	sadd.s32 $0x88, s3;
	s6 =	simm.s32 @!p1 $0x1082;
	[sflag:s4] =	ssyncset.s32 $0xFFFFF086  }
0x25: {  	[simem:s6], [sflag:s4] =	dma.local [hbm:s3], $0xF7A  }
0x26: {  	[smem:$0x3F9D] =	sst s1;
	(tag) =	ssettag s2;
	_ =	strace s9  }
0x27: {  	s1 =	sld [smem:$0x3FAD]  }
0x28: {  	s2 =	sld [smem:$0x3FAE]  }
0x29: {  	s4 =	sld [smem:$0x3FB0]  }
0x2a: {  	p0 =	seq.s32 s5, $0x0;
	s5 =	sld [smem:$0x3FB1]  }
0x2b: {  	s6 =	sld [smem:$0x3FB2]  }
0x2c: {  	s7 =	sld [smem:$0x3FB3]  }
0x2d: {  	s3 =	simm.s32 $0x108;
	s8 =	sld [smem:$0x3FB4]  }
0x2e: {  	s3 =	simm.s32 @!p0 $0x1082;
	s9 =	sld [smem:$0x3FB5]  }
0x2f: {  	lr =	sadd.s32 s0, s3;
	s0 =	sld [smem:$0x3FAC]  }
0x30: {  	s3 =	sld [smem:$0x3FAF]  }
0x31: {  	[smem:$0x3FB8] =	sst s10  }
0x32: {  	s10 =	sld [smem:$0x3FB6];
	_ =	sdelay $0x3  }
0x33: {  	p0 =	seq.s32 s10, $0x1;
	s10 =	sld [smem:$0x3FB8];
	_ =	sdelay $0x3  }
0x34: {  	[smem:$0x3FB8] =	sst s10  }
0x35: {  	s10 =	sld [smem:$0x3FB7];
	_ =	sdelay $0x3  }
0x36: {  	p1 =	seq.s32 s10, $0x1;
	s10 =	sld [smem:$0x3FB8];
	_ =	sdelay $0x3  }
0x37: {  	[smem:$0x3FB8] =	sst s10  }
0x38: {  	s10 =	sld [smem:$0x3FB9]  }
0x39: {  	_ = 	snop;
	(pc) =	sbr.ind lr, $3  }
0x3a: {  	_ = 	snop  }
0x3b: {  	_ = 	snop  }
0x3c: {  	p2 =	seq.s32 s10, $0x1;
	s10 =	sld [smem:$0x3FB8]  }
0x3d: {  	_ =	shalt  }
0x3e: {  	_ =	shalt  }
0x3f: {  	_ =	shalt  }
0x40: {  	_ =	shalt  }
0x41: {  	_ =	shalt  }
0x42: {  	_ =	shalt  }
0x43: {  	_ =	shalt  }
0x44: {  	_ =	shalt  }
0x45: {  	_ =	shalt  }
0x46: {  	_ =	shalt  }
0x47: {  	_ =	shalt  }
0x48: {  	_ =	shalt  }
0x49: {  	_ =	shalt  }
0x4a: {  	_ =	shalt  }
0x4b: {  	_ =	shalt  }
0x4c: {  	_ =	shalt  }
0x4d: {  	_ =	shalt  }
0x4e: {  	_ =	shalt  }
0x4f: {  	_ =	shalt  }
0x50: {  	_ =	shalt  }
0x51: {  	_ =	shalt  }
0x52: {  	_ =	shalt  }
0x53: {  	_ =	shalt  }
0x54: {  	_ =	shalt  }
0x55: {  	_ =	shalt  }
0x56: {  	_ =	shalt  }
0x57: {  	_ =	shalt  }
0x58: {  	_ =	shalt  }
0x59: {  	_ =	shalt  }
0x5a: {  	_ =	shalt  }
0x5b: {  	_ =	shalt  }
0x5c: {  	_ =	shalt  }
0x5d: {  	_ =	shalt  }
0x5e: {  	_ =	shalt  }
0x5f: {  	_ =	shalt  }
0x60: {  	_ =	shalt  }
0x61: {  	_ =	shalt  }
0x62: {  	_ =	shalt  }
0x63: {  	_ =	shalt  }
0x64: {  	_ =	shalt  }
0x65: {  	_ =	shalt  }
0x66: {  	_ =	shalt  }
0x67: {  	_ =	shalt  }
0x68: {  	_ =	shalt  }
0x69: {  	_ =	shalt  }
0x6a: {  	_ =	shalt  }
0x6b: {  	_ =	shalt  }
0x6c: {  	_ =	shalt  }
0x6d: {  	_ =	shalt  }
0x6e: {  	_ =	shalt  }
0x6f: {  	_ =	shalt  }
0x70: {  	_ =	shalt  }
0x71: {  	_ =	shalt  }
0x72: {  	_ =	shalt  }
0x73: {  	_ =	shalt  }
0x74: {  	_ =	shalt  }
0x75: {  	_ =	shalt  }
0x76: {  	_ =	shalt  }
0x77: {  	_ =	shalt  }
0x78: {  	_ =	shalt  }
0x79: {  	_ =	shalt  }
0x7a: {  	_ =	shalt  }
0x7b: {  	_ =	shalt  }
0x7c: {  	_ =	shalt  }
0x7d: {  	_ =	shalt  }
0x7e: {  	_ =	shalt  }
0x7f: {  	_ =	shalt  }
0x80: {  	_ =	shalt  }
0x81: {  	_ =	shalt  }
0x82: {  	_ =	shalt  }
0x83: {  	_ =	shalt  }
0x84: {  	_ =	shalt  }
0x85: {  	_ =	shalt  }
0x86: {  	_ =	shalt  }
0x87: {  	_ =	shalt  }
.Lfunc_end0:
.L_simem_size_0:
called_computation.1_lowered:
.L_overlay_start_0:
0x88: {  	s2 =	sld [smem:$0x3FD9]  }
0x89: {  	s3 =	sld [smem:$0x3FFE];
	_ =	sdelay $0x1  }
0x8a: {  	s1 =	srdreg.scid  }
0x8b: {  	s0 =	sand.u32 $0x1, s1  }
0x8c: {  	s17 =	sshll.u32 s0, $0xA;
	s2 =	sadd.s32 s3, s2  }
0x8d: {  	s2 =	sadd.s32 s2, s17  }
0x8e: {  	[smem:$0x3FC4] =	sst s2  }
0x8f: {  	_ = 	snop  }
0x90: {  	s2 =	sld [smem:$0x3FC9]  }
0x91: {  	s18 =	sld [smem:$0x3FD0];
	(tm) =	ssettm $0x1  }
0x92: {  	s4 =	sld [smem:$0x3FFB];
	_ =	sdelay $0x3  }
0x93: {  	_ =	strace s4  }
0x94: {  	s4 =	sld [smem:$0x3FFC];
	_ =	sdelay $0x3  }
0x95: {  	_ =	strace s4  }
0x96: {  	s4 =	sld [smem:$0x3FFD];
	_ =	sdelay $0x3  }
0x97: {  	_ =	strace s4  }
0x98: {  	_ =	strace $0x8FFFFFFF  }
0x99: {  	s19 =	sld [smem:$0x3FDB];
	_ =	sdelay $0x1  }
0x9a: {  	s5 =	simm.s32 $_scs_section_size  }
0x9b: {  	s6 =	simm.s32 $_size__tile_overlayer_lowered;
	s7 =	simm.s32 $_tile_overlayer_lowered  }
0x9c: {  	s22 =	simm.s32 $0x1BFF;
	s21 =	sshll.u32 s7, $0x1;
	s4 =	sadd.s32 s5, s19  }
0x9d: {  	s8 =	simm.s32 $0x0;
	s20 =	sshll.u32 s6, $0x1;
	s6 =	sadd.s32 s21, s4  }
0x9e: {  	[timem:s8], [sflag:s22] =	dma.local [hbm:s6], s20  }
0x9f: {  	_ =	swait.ge [sflag:s22], s20  }
0xa0: {  	s5 =	ssub.s32 $0x0, s20;
	[sflag:s22] =	ssyncset.done $0x0  }
0xa1: {  	[sflag:s22] =	ssyncadd.s32 s5;
	_ =	sdelay $0x1  }
0xa2: {  	s23 =	simm.s32 $0x1B8B  }
0xa3: {  	_ =	swait.ge [sflag:s23], $0x1  }
0xa4: {  	[sflag:s23] =	ssyncset.done $0x0  }
0xa5: {  	s25 =	simm.s32 $0x1B8E;
	s24 =	sld [smem:$0x3FFE];
	[sflag:s23] =	ssyncadd.s32 $0xFFFFFFFF  }
0xa6: {  	s26 =	simm.s32 $execute0_lowered;
	[smem:$0x3FD2] =	sst s25  }
0xa7: {  	s6 =	sshll.u32 s26, $0x1;
	_ =	strace $0x80000049;
	[dreg:$0x1] =	wrdreg $0xFFFFFFFF  }
0xa8: {  	s28 =	simm.s32 $_size_execute0_lowered;
	s4 =	sadd.s32 s4, s6;
	[dreg:$0x0] =	wrdreg $0x0  }
0xa9: {  	s6 =	sshll.u32 s28, $0x1;
	[dreg:$0x2] =	wrdreg s4  }
0xaa: {  	[dreg:$0x3] =	wrdreg s6  }
0xab: {  	[dreg:$0x4] =	wrdreg $0xC0  }
0xac: {  	_ =	task [dreg:s8], $0x5FFFF  }
0xad: {  	[dreg:$0x1] =	wrdreg $0xFFFFFFFF  }
0xae: {  	[dreg:$0x0] =	wrdreg $0x60  }
0xaf: {  	[dreg:$0x2] =	wrdreg s24  }
0xb0: {  	[dreg:$0x3] =	wrdreg s2  }
0xb1: {  	[dreg:$0x4] =	wrdreg s18  }
0xb2: {  	[dreg:$0x5] =	wrdreg $0x9  }
0xb3: {  	_ =	task.clear_ibuf [dreg:s8], $0x6FFFF;
	_ =	strace $0x90000049  }
0xb4: {  	s29 =	simm.s32 $0x9;
	_ =	strace $0x8000004B  }
0xb5: {  	_ =	swait.ge [sflag:s29], $0x1  }
0xb6: {  	[sflag:s29] =	ssyncadd.s32 $0xFFFFFFFF  }
0xb7: {  	_ =	strace $0x9000004B  }
0xb8: {  	_ =	sfence  }
0xb9: {  	s30 =	sld [smem:$0x0];
	_ =	sdelay $0x2  }
0xba: {  	s31 =	sshll.u32 s1, $0xD;
	s1 =	sshrl.u32 s1, $0x2  }
0xbb: {  	s3 =	sand.u32 $0x4000, s31;
	s1 =	sadd.s32 s1, s30  }
0xbc: {  	s0 =	sor.u32 s3, s0;
	s1 =	sshll.u32 s1, $0x11  }
0xbd: {  	s0 =	sor.u32 s1, s0  }
0xbe: {  	s0 =	sadd.s32 $0x8F2B, s0  }
0xbf: {  	[sflag:s0] =	ssyncadd.remote.s32 $0x1  }
0xc0: {  	_ =	sfence.sel $0xFFFF  }
0xc1: {  	[dreg:$0x0] =	wrdreg $0xFFFFFFFF;
	(pc) =	sbr.abs _section_cstart, $3  }
0xc2: {  	[dreg:$0x1] =	wrdreg $0xFFFFFFFF  }
0xc3: {  	_ =	task.clear_ibuf [dreg:s8], $0x2FFFF;
	_ =	strace $0x9FFFFFFF  }
0xc4: {  	(tm) =	ssettm $0x7FFFFFFF  }
0xc5: {  	_ =	shalt  }
tec
execute0_lowered:
.L_overlay_start_1:
0x0: {  	(tag) =	ssettag $0x1  }
0x1: {  	s11 =	rddreg [dreg:$0x0]  }
0x2: {  	s3 =	rddreg [dreg:$0x1]  }
0x3: {  	s17 =	rddreg [dreg:$0x2];
	s2 =	srdreg.scid  }
0x4: {  	s0 =	rddreg [dreg:$0x3];
	s1 =	stileid.u32;
	s18 =	sand.u32 $0x1, s2  }
0x5: {  	s2 =	simm.s32 $0x0;
	s4 =	sshll.u32 s1, $0x7;
	s5 =	sshll.u32 s18, $0x6  }
0x6: {  	[smem:$0x7FF] =	sst s2;
	s19 =	sor.u32 s5, s4  }
0x7: {  	_ =	strace $0x8000004A;
	s4 =	sadd.s32 s3, s19;
	s3 =	simm.s32 $0x2  }
0x8: {  	[tilespmem:s2], [sflag:$0x2] =	stream.linear.gather [hbm4b:s4+s2], $0x80, $0x38;
	[tilespmem:$0x400] =	vst v63  }
0x9: {  	_ =	swait.ge [sflag:s3], $0x80  }
0xa: {  	[sflag:s3] =	ssyncset.done $0x0  }
0xb: {  	s6 =	simm.s32 $0x80;
	s5 =	sadd.s32 $0x10, s4;
	[sflag:s3] =	ssyncadd.s32 $0xFFFFFF80  }
0xc: {  	[tilespmem:s6], [sflag:$0x2] =	stream.linear.gather [hbm4b:s5+s2], $0x80, $0x38;
	[tilespmem:$0x400] =	vst v63  }
0xd: {  	_ =	swait.ge [sflag:s3], $0x80  }
0xe: {  	[sflag:s3] =	ssyncset.done $0x0  }
0xf: {  	s8 =	simm.s32 $0x100;
	s7 =	sadd.s32 $0x20, s4;
	[sflag:s3] =	ssyncadd.s32 $0xFFFFFF80  }
0x10: {  	[tilespmem:s8], [sflag:$0x2] =	stream.linear.gather [hbm4b:s7+s2], $0x80, $0x38;
	[tilespmem:$0x400] =	vst v63  }
0x11: {  	_ =	swait.ge [sflag:s3], $0x80  }
0x12: {  	[sflag:s3] =	ssyncset.done $0x0  }
0x13: {  	s10 =	simm.s32 $0x180;
	s9 =	sadd.s32 $0x30, s4;
	[sflag:s3] =	ssyncadd.s32 $0xFFFFFF80  }
0x14: {  	[tilespmem:s10], [sflag:$0x2] =	stream.linear.gather [hbm4b:s9+s2], $0x80, $0x38;
	[tilespmem:$0x400] =	vst v63  }
0x15: {  	_ =	swait.ge [sflag:s3], $0x80  }
0x16: {  	[sflag:s3] =	ssyncset.done $0x0  }
0x17: {  	s12 =	simm.s32 $0x200;
	s11 =	sadd.s32 $0x13A00, s11;
	[sflag:s3] =	ssyncadd.s32 $0xFFFFFF80  }
0x18: {  	[tilespmem:s12], [sflag:$0x1] =	stream.indirect.gather [hbm4b:s11+s6], $0x1, s2, s6, $0xb8;
	[tilespmem:$0x400] =	vst v63  }
0x19: {  	s13 =	simm.s32 $0x280  }
0x1a: {  	[tilespmem:s13], [sflag:$0x1] =	stream.indirect.gather [hbm4b:s11+s6], $0x1, s6, s6, $0xb8;
	[tilespmem:$0x400] =	vst v63  }
0x1b: {  	s14 =	simm.s32 $0x300  }
0x1c: {  	[tilespmem:s14], [sflag:$0x1] =	stream.indirect.gather [hbm4b:s11+s6], $0x1, s8, s6, $0xb8;
	[tilespmem:$0x400] =	vst v63  }
0x1d: {  	s15 =	simm.s32 $0x380;
	s16 =	simm.s32 $0x1  }
0x1e: {  	[tilespmem:s15], [sflag:$0x1] =	stream.indirect.gather [hbm4b:s11+s6], $0x1, s10, s6, $0xb8;
	[tilespmem:$0x400] =	vst v63  }
0x1f: {  	_ =	swait.ge [sflag:s16], $0x80  }
0x20: {  	[sflag:s16] =	ssyncset.done $0x0  }
0x21: {  	[sflag:s16] =	ssyncadd.s32 $0xFFFFFF80  }
0x22: {  	_ =	swait.ge [sflag:s16], $0x80  }
0x23: {  	[sflag:s16] =	ssyncset.done $0x0  }
0x24: {  	s18 =	ssub.s32 $0x2, s18;
	[sflag:s16] =	ssyncadd.s32 $0xFFFFFF80  }
0x25: {  	s20 =	sshrl.u32 s18, $0x1;
	_ =	swait.ge [sflag:s16], $0x80  }
0x26: {  	s18 =	ssub.s32 s18, s20;
	[sflag:s16] =	ssyncset.done $0x0  }
0x27: {  	s18 =	smax.u32 s18, $0x1;
	[sflag:s16] =	ssyncadd.s32 $0xFFFFFF80  }
0x28: {  	p0 =	sne.s32 s18, $0x1;
	_ =	swait.ge [sflag:s16], $0x80  }
.Ltmp0:
0x29: {  	[sflag:s16] =	ssyncset.done $0x0;
	(pc) =	sbr.rel @!p0 .LBB2_2-.Ltmp0, $4  }
0x2a: {  	s17 =	sadd.s32 s17, s19;
	[sflag:s16] =	ssyncadd.s32 $0xFFFFFF80  }
0x2b: {  	[hbm4b:s17+s2] =	stream.linear.scatter [tilespmem:s12], [sflag:$0x2], $0x200, $0x38;
	[tilespmem:$0x400] =	vst v63  }
0x2c: {  	_ =	swait.ge [sflag:s3], $0x200  }
0x2d: {  	s18 =	sadd.s32 $0xFFFFFFFF, s18;
	[sflag:s3] =	ssyncset.done $0x0  }
.LBB2_1:
0x2e: {  	p0 =	sne.s32 s18, $0x1;
	s18 =	sadd.s32 $0xFFFFFFFF, s18;
	[sflag:s3] =	ssyncadd.s32 $0xFFFFFE00  }
0x2f: {  	[tilespmem:s2], [sflag:$0x2] =	stream.linear.gather [hbm4b:s4+s2], $0x80, $0x38;
	[tilespmem:$0x400] =	vst v63  }
0x30: {  	_ =	swait.ge [sflag:s3], $0x80  }
0x31: {  	[sflag:s3] =	ssyncset.done $0x0  }
0x32: {  	[sflag:s3] =	ssyncadd.s32 $0xFFFFFF80  }
0x33: {  	[tilespmem:s6], [sflag:$0x2] =	stream.linear.gather [hbm4b:s5+s2], $0x80, $0x38;
	[tilespmem:$0x400] =	vst v63  }
0x34: {  	_ =	swait.ge [sflag:s3], $0x80  }
0x35: {  	[sflag:s3] =	ssyncset.done $0x0  }
0x36: {  	[sflag:s3] =	ssyncadd.s32 $0xFFFFFF80  }
0x37: {  	[tilespmem:s8], [sflag:$0x2] =	stream.linear.gather [hbm4b:s7+s2], $0x80, $0x38;
	[tilespmem:$0x400] =	vst v63  }
0x38: {  	_ =	swait.ge [sflag:s3], $0x80  }
0x39: {  	[sflag:s3] =	ssyncset.done $0x0  }
0x3a: {  	[sflag:s3] =	ssyncadd.s32 $0xFFFFFF80  }
0x3b: {  	[tilespmem:s10], [sflag:$0x2] =	stream.linear.gather [hbm4b:s9+s2], $0x80, $0x38;
	[tilespmem:$0x400] =	vst v63  }
0x3c: {  	_ =	swait.ge [sflag:s3], $0x80  }
0x3d: {  	[sflag:s3] =	ssyncset.done $0x0  }
0x3e: {  	[sflag:s3] =	ssyncadd.s32 $0xFFFFFF80  }
0x3f: {  	[tilespmem:s12], [sflag:$0x1] =	stream.indirect.gather [hbm4b:s11+s6], $0x1, s2, s6, $0xb8;
	[tilespmem:$0x400] =	vst v63  }
0x40: {  	_ = 	snop  }
0x41: {  	[tilespmem:s13], [sflag:$0x1] =	stream.indirect.gather [hbm4b:s11+s6], $0x1, s6, s6, $0xb8;
	[tilespmem:$0x400] =	vst v63  }
0x42: {  	_ = 	snop  }
0x43: {  	[tilespmem:s14], [sflag:$0x1] =	stream.indirect.gather [hbm4b:s11+s6], $0x1, s8, s6, $0xb8;
	[tilespmem:$0x400] =	vst v63  }
0x44: {  	_ = 	snop  }
0x45: {  	[tilespmem:s15], [sflag:$0x1] =	stream.indirect.gather [hbm4b:s11+s6], $0x1, s10, s6, $0xb8;
	[tilespmem:$0x400] =	vst v63  }
0x46: {  	_ =	swait.ge [sflag:s16], $0x80  }
0x47: {  	[sflag:s16] =	ssyncset.done $0x0  }
0x48: {  	[sflag:s16] =	ssyncadd.s32 $0xFFFFFF80  }
0x49: {  	_ =	swait.ge [sflag:s16], $0x80  }
0x4a: {  	[sflag:s16] =	ssyncset.done $0x0  }
0x4b: {  	[sflag:s16] =	ssyncadd.s32 $0xFFFFFF80  }
0x4c: {  	_ =	swait.ge [sflag:s16], $0x80  }
0x4d: {  	[sflag:s16] =	ssyncset.done $0x0  }
0x4e: {  	[sflag:s16] =	ssyncadd.s32 $0xFFFFFF80  }
0x4f: {  	_ =	swait.ge [sflag:s16], $0x80  }
.Ltmp1:
0x50: {  	[sflag:s16] =	ssyncset.done $0x0;
	(pc) =	sbr.rel @p0 .LBB2_1-.Ltmp1, $4  }
0x51: {  	[sflag:s16] =	ssyncadd.s32 $0xFFFFFF80  }
0x52: {  	[hbm4b:s17+s2] =	stream.linear.scatter [tilespmem:s12], [sflag:$0x2], $0x200, $0x38;
	[tilespmem:$0x400] =	vst v63  }
0x53: {  	_ =	swait.ge [sflag:s3], $0x200  }
0x54: {  	[sflag:s3] =	ssyncset.done $0x0  }
.LBB2_2:
0x55: {  	[sflag:s3] =	ssyncadd.s32 $0xFFFFFE00  }
0x56: {  	_ =	sfence.sel $0x180000  }
0x57: {  	[bflag:$0x0] =	sbarrier.arrive $0xFFFF  }
0x58: {  	p0 =	sne.s32 s1, $0x0;
	_ =	strace $0x9000004A  }
0x59: {  	s0 =	sadd.s32 @!p0 $0x100000, s0;
	[bflag:$0x2] =	sbarrier.arrive $0xFFFF  }
0x5a: {  	[sflag:s0] =	ssyncadd.tile.s32 @!p0 $0x1;
	_ =	shalt  }
.Lfunc_end2:
_tile_overlayer_lowered:
.L_overlay_start_2:
0x5b: {  	(tag) =	ssettag $0x2  }
0x5c: {  	s0 =	rddreg [dreg:$0x0];
	s2 =	stileid.u32  }
0x5d: {  	s1 =	rddreg [dreg:$0x1];
	p0 =	sne.s32 s2, $0x0  }
0x5e: {  	s3 =	rddreg [dreg:$0x2];
	[bflag:$0x3] =	sbarrier.arrive $0xFFFF;
	s2 =	simm.s32 @!p0 $0x1C02  }
0x5f: {  	[timem:s3], [sflag:s2] =	dma.local @!p0 [hbm:s0], s1  }
0x60: {  	s0 =	simm.s32 @!p0 $0x2  }
0x61: {  	_ =	swait.ge @!p0 [sflag:s0], s1  }
0x62: {  	s1 =	ssub.s32 @!p0 $0x0, s1;
	[sflag:s0] =	ssyncset.done @!p0 $0x0  }
0x63: {  	[sflag:s0] =	ssyncadd.s32 @!p0 s1  }
0x64: {  	[bflag:$0x3] =	sbarrier.arrive $0xFFFF  }
0x65: {  	_ =	shalt  }

</sc_bundles>
